<compile_context>
chip_gen: v7x
topology: tpu7x:2x2x1
jax: 0.10.2.dev20260603
libtpu: 0.0.44.dev20260713+nightly
codegen_flags: <defaults>
</compile_context>

<pallas_src>
import functools

import jax
import jax.numpy as jnp
from jax import lax
from jax.experimental import pallas as pl
from jax.experimental.pallas import tpu as pltpu
from jax.experimental.pallas import tpu_sc as plsc

H = 768
F = 512
E = 64
K = 2
C = 192
T = 2048
A = T * K

RB = 64
BPE = C // RB
NB = E * BPE + 1
ROWS = NB * RB
DUMP = E * C

NC = 2
NS = 16
NW = NC * NS
APW = A // NW
TPW = T // NW
LANES = 16


def _dispatch_body(hs_hbm, tok_hbm, dest_hbm, out_hbm, tok_v, dest_v, rows_v, sem):
    wid = lax.axis_index("s") * NC + lax.axis_index("c")
    base = wid * APW
    pltpu.sync_copy(tok_hbm.at[pl.ds(base, APW)], tok_v)
    pltpu.sync_copy(dest_hbm.at[pl.ds(base, APW)], dest_v)
    pltpu.async_copy(hs_hbm.at[tok_v], rows_v, sem).wait()
    pltpu.async_copy(rows_v, out_hbm.at[dest_v], sem).wait()


def _combine_body(eo_hbm, ia_hbm, ib_hbm, w_hbm, out_hbm,
                  ia_v, ib_v, w_v, buf_a, buf_b, sem_a, sem_b):
    wid = lax.axis_index("s") * NC + lax.axis_index("c")
    tb = wid * TPW
    pltpu.sync_copy(ia_hbm.at[pl.ds(tb, TPW)], ia_v)
    pltpu.sync_copy(ib_hbm.at[pl.ds(tb, TPW)], ib_v)
    pltpu.sync_copy(w_hbm.at[pl.ds(K * tb, K * TPW)], w_v)
    ca = pltpu.async_copy(eo_hbm.at[ia_v], buf_a, sem_a)
    cb = pltpu.async_copy(eo_hbm.at[ib_v], buf_b, sem_b)
    ca.wait()
    cb.wait()

    def group_body(g, _):
        wpair = w_v[pl.ds(g * LANES, LANES)]
        for j in range(LANES // K):
            i = g * (LANES // K) + j
            w0 = wpair[K * j]
            w1 = wpair[K * j + 1]

            def chunk_body(c, _, i=i, w0=w0, w1=w1):
                a = buf_a[i, pl.ds(c * LANES, LANES)]
                b = buf_b[i, pl.ds(c * LANES, LANES)]
                buf_a[i, pl.ds(c * LANES, LANES)] = w0 * a + w1 * b
                return 0

            lax.fori_loop(0, H // LANES, chunk_body, 0)
        return 0

    lax.fori_loop(0, TPW // (LANES // K), group_body, 0)
    pltpu.sync_copy(buf_a, out_hbm.at[pl.ds(tb, TPW)])


_SC_MESH = plsc.VectorSubcoreMesh(core_axis_name="c", subcore_axis_name="s")

_dispatch = functools.partial(
    pl.kernel,
    mesh=_SC_MESH,
    out_type=jax.ShapeDtypeStruct((ROWS, H), jnp.float32),
    scratch_types=[
        pltpu.VMEM((APW,), jnp.int32),
        pltpu.VMEM((APW,), jnp.int32),
        pltpu.VMEM((APW, H), jnp.float32),
        pltpu.SemaphoreType.DMA,
    ],
)(_dispatch_body)

_combine = functools.partial(
    pl.kernel,
    mesh=_SC_MESH,
    out_type=jax.ShapeDtypeStruct((T, H), jnp.float32),
    scratch_types=[
        pltpu.VMEM((TPW,), jnp.int32),
        pltpu.VMEM((TPW,), jnp.int32),
        pltpu.VMEM((K * TPW,), jnp.float32),
        pltpu.VMEM((TPW, H), jnp.float32),
        pltpu.VMEM((TPW, H), jnp.float32),
        pltpu.SemaphoreType.DMA,
        pltpu.SemaphoreType.DMA,
    ],
)(_combine_body)


def _gemm_body(counts_ref, x_ref, gu_ref, dw_ref, o_ref):
    b = pl.program_id(0)

    @pl.when(b == NB - 1)
    def _zero():
        o_ref[...] = jnp.zeros_like(o_ref)

    @pl.when(b < NB - 1)
    def _compute():
        e = b // BPE
        rb = b % BPE

        @pl.when(rb * RB < counts_ref[e])
        def _active():
            x = x_ref[...]
            gu = gu_ref[0]
            acc = lax.dot_general(x, gu, (((1,), (1,)), ((), ())),
                                  preferred_element_type=jnp.float32)
            gate = acc[:, :F]
            up = acc[:, F:]
            act = gate * jax.nn.sigmoid(gate) * up
            dw = dw_ref[0]
            o_ref[...] = lax.dot_general(act, dw, (((1,), (1,)), ((), ())),
                                         preferred_element_type=jnp.float32)


def _weight_index(b, counts):
    e = jnp.minimum(b // BPE, E - 1)
    return (e, 0, 0)


_gemm = pl.pallas_call(
    _gemm_body,
    grid_spec=pltpu.PrefetchScalarGridSpec(
        num_scalar_prefetch=1,
        grid=(NB,),
        in_specs=[
            pl.BlockSpec((RB, H), lambda b, counts: (b, 0)),
            pl.BlockSpec((1, 2 * F, H), _weight_index),
            pl.BlockSpec((1, H, F), _weight_index),
        ],
        out_specs=pl.BlockSpec((RB, H), lambda b, counts: (b, 0)),
    ),
    out_shape=jax.ShapeDtypeStruct((ROWS, H), jnp.float32),
    compiler_params=pltpu.CompilerParams(
        dimension_semantics=("arbitrary",),
    ),
)


@jax.jit
def kernel(hidden_states, topk_weights, topk_ids, gate_up_weight, down_weight):
    flat_ids = topk_ids.reshape(-1).astype(jnp.int32)
    flat_w = topk_weights.reshape(-1)

    onehot = (flat_ids[:, None] == jnp.arange(E, dtype=jnp.int32)[None, :])
    onehot = onehot.astype(jnp.int32)
    pos = jnp.cumsum(onehot, axis=0) - 1
    pos_in_expert = jnp.take_along_axis(pos, flat_ids[:, None], axis=1)[:, 0]
    valid = pos_in_expert < C
    dest = jnp.where(valid, flat_ids * C + pos_in_expert, DUMP).astype(jnp.int32)
    counts = jnp.minimum(jnp.sum(onehot, axis=0), C).astype(jnp.int32)
    token_idx = (jnp.arange(A, dtype=jnp.int32) // K).astype(jnp.int32)

    expert_in = _dispatch(hidden_states, token_idx, dest)
    eo = _gemm(counts, expert_in, gate_up_weight, down_weight)
    idx_a = dest.reshape(T, K)[:, 0]
    idx_b = dest.reshape(T, K)[:, 1]
    return _combine(eo, idx_a, idx_b, flat_w)

# --- scband reference (transcript-rebuilt; emitter-appended) ---
"""Pipeline reference for scband-fused-mo-e-12214886989881 (READ-ONLY COPY).

The authoritative reference and input builder live on the scoring server;
editing this copy changes nothing except your own understanding.
"""

import jax, jax.numpy as jnp
import numpy as np

HIDDEN_DIM = 768
FFN_DIM = 512
NUM_EXPERTS = 64
TOP_K = 2
CAPACITY = 192  # >> expected 64 tokens/expert, so no token dropping
T = 2048


def setup_inputs(seed: int = 0) -> dict:
    key = jax.random.key(seed)
    k1, k2, k3, k4, k5 = jax.random.split(key, 5)
    hidden_states = jax.random.normal(k1, (T, HIDDEN_DIM), dtype=jnp.float32)
    topk_weights = jax.random.uniform(k2, (T, TOP_K), dtype=jnp.float32)
    topk_ids = jax.random.randint(k3, (T, TOP_K), 0, NUM_EXPERTS)
    gate_up_weight = jax.random.normal(k4, (NUM_EXPERTS, 2 * FFN_DIM, HIDDEN_DIM), dtype=jnp.float32) * 0.02
    down_weight = jax.random.normal(k5, (NUM_EXPERTS, HIDDEN_DIM, FFN_DIM), dtype=jnp.float32) * 0.02
    return {
        'hidden_states': hidden_states,
        'topk_weights': topk_weights,
        'topk_ids': topk_ids,
        'gate_up_weight': gate_up_weight,
        'down_weight': down_weight,
    }


def reference(hidden_states, topk_weights, topk_ids, gate_up_weight, down_weight):
    # FusedMoE.forward with renormalize=False, single device (no collectives).
    # SiLU-gated expert FFN: gate_up weight is [E, 2*ffn, hidden] with the first
    # half_out rows being the gate projection and the second half the up projection.
    Tt, H = hidden_states.shape
    K = topk_ids.shape[-1]
    E = gate_up_weight.shape[0]
    ffn = down_weight.shape[2]
    A = Tt * K

    flat_ids = topk_ids.reshape(-1)            # [A] expert id per assignment
    flat_w = topk_weights.reshape(-1)          # [A]
    token_idx = jnp.arange(A) // K             # [A] source token per assignment

    # position of each assignment within its expert (GShard-style dispatch)
    onehot = jax.nn.one_hot(flat_ids, E, dtype=jnp.int32)      # [A, E]
    pos = jnp.cumsum(onehot, axis=0) - 1                       # [A, E]
    pos_in_expert = jnp.sum(pos * onehot, axis=1)              # [A]
    valid = pos_in_expert < CAPACITY
    slot = jnp.where(valid, pos_in_expert, CAPACITY)           # overflow -> dump row

    # dispatch tokens to [E, CAPACITY, H]
    expert_in = jnp.zeros((E, CAPACITY + 1, H), dtype=hidden_states.dtype)
    expert_in = expert_in.at[flat_ids, slot].add(hidden_states[token_idx])
    expert_in = expert_in[:, :CAPACITY]

    # per-expert gate_up GEMM: [E, C, 2*ffn]
    gu = jnp.einsum('ech,efh->ecf', expert_in, gate_up_weight)
    gate = gu[..., :ffn]
    up = gu[..., ffn:]
    act = jax.nn.silu(gate) * up

    # per-expert down GEMM: [E, C, H]
    eo = jnp.einsum('ecf,ehf->ech', act, down_weight)

    # combine back per assignment
    gathered = eo[flat_ids, jnp.minimum(pos_in_expert, CAPACITY - 1)]  # [A, H]
    gathered = jnp.where(valid[:, None], gathered, 0.0)
    weighted = gathered * flat_w[:, None]
    out = jnp.sum(weighted.reshape(Tt, K, H), axis=1)
    return out

if __name__ == "__main__":
    import jax
    _d = setup_inputs()
    print(jax.jit(kernel)(*tuple(_d.values())))

</pallas_src>

<mosaic_0001>
#map = affine_map<(d0, d1) -> (0, 0)>
#map1 = affine_map<(d0, d1) -> (0)>
module attributes {stable_mosaic.version = 14 : i64} {
  func.func @_combine_body(%arg0: i32, %arg1: i32, %arg2: memref<12352x768xf32, #tpu.memory_space<hbm>>, %arg3: memref<2048xi32, #tpu.memory_space<hbm>>, %arg4: memref<2048xi32, #tpu.memory_space<hbm>>, %arg5: memref<4096xf32, #tpu.memory_space<hbm>>, %arg6: memref<2048x768xf32, #tpu.memory_space<hbm>>, %arg7: memref<64xi32, #tpu.memory_space<vmem>>, %arg8: memref<64xi32, #tpu.memory_space<vmem>>, %arg9: memref<128xf32, #tpu.memory_space<vmem>>, %arg10: memref<64x768xf32, #tpu.memory_space<vmem>>, %arg11: memref<64x768xf32, #tpu.memory_space<vmem>>, %arg12: memref<!tpu.dma_semaphore, #tpu.memory_space<semaphore_mem>>, %arg13: memref<!tpu.dma_semaphore, #tpu.memory_space<semaphore_mem>>) attributes {dimension_semantics = [#tpu.dimension_semantics<core_parallel>, #tpu.dimension_semantics<subcore_parallel>], iteration_bounds = array<i64: 2, 16>, scalar_prefetch = 0 : i64, scratch_operands = 7 : i64, tpu.core_type = #tpu.core_type<sc_vector_subcore>, window_params = [{transform_indices = #map}, {transform_indices = #map1}, {transform_indices = #map1}, {transform_indices = #map1}, {transform_indices = #map}]} {
    %mul3A = arith.constant 2 : i32
    %mul3A_0 = arith.muli %arg1, %mul3A : i32
    %add3A = arith.addi %mul3A_0, %arg0 : i32
    %mul3A_1 = arith.constant 64 : i32
    %mul3A_2 = arith.muli %add3A, %mul3A_1 : i32
    "tpu.region"() ({
      %run_scoped3A = tpu.sem_alloc : memref<!tpu.dma_semaphore, #tpu.memory_space<semaphore_mem>>
      %dma_start3A_21 = tpu.memref_slice %arg3[%mul3A_2] : memref<2048xi32, #tpu.memory_space<hbm>> -> memref<64xi32, #tpu.memory_space<hbm>>
      %dma_start3A_22 = tpu.memref_slice %arg3[%mul3A_2] : memref<2048xi32, #tpu.memory_space<hbm>> -> memref<64xi32, #tpu.memory_space<hbm>>
      tpu.enqueue_dma source(%dma_start3A_22 : memref<64xi32, #tpu.memory_space<hbm>>) target(%arg7 : memref<64xi32, #tpu.memory_space<vmem>>) target_semaphore(%run_scoped3A : memref<!tpu.dma_semaphore, #tpu.memory_space<semaphore_mem>>)
      %dma_wait3A_23 = tpu.memref_slice %arg3[%mul3A_2] : memref<2048xi32, #tpu.memory_space<hbm>> -> memref<64xi32, #tpu.memory_space<hbm>>
      %dma_wait3A_24 = tpu.memref_slice %arg3[%mul3A_2] : memref<2048xi32, #tpu.memory_space<hbm>> -> memref<64xi32, #tpu.memory_space<hbm>>
      tpu.wait_dma2 semaphore(%run_scoped3A : memref<!tpu.dma_semaphore, #tpu.memory_space<semaphore_mem>>) src(%dma_wait3A_24 : memref<64xi32, #tpu.memory_space<hbm>>) dst(%arg7 : memref<64xi32, #tpu.memory_space<vmem>>)
      tpu.yield
    }) : () -> ()
    "tpu.region"() ({
      %run_scoped3A = tpu.sem_alloc : memref<!tpu.dma_semaphore, #tpu.memory_space<semaphore_mem>>
      %dma_start3A_21 = tpu.memref_slice %arg4[%mul3A_2] : memref<2048xi32, #tpu.memory_space<hbm>> -> memref<64xi32, #tpu.memory_space<hbm>>
      %dma_start3A_22 = tpu.memref_slice %arg4[%mul3A_2] : memref<2048xi32, #tpu.memory_space<hbm>> -> memref<64xi32, #tpu.memory_space<hbm>>
      tpu.enqueue_dma source(%dma_start3A_22 : memref<64xi32, #tpu.memory_space<hbm>>) target(%arg8 : memref<64xi32, #tpu.memory_space<vmem>>) target_semaphore(%run_scoped3A : memref<!tpu.dma_semaphore, #tpu.memory_space<semaphore_mem>>)
      %dma_wait3A_23 = tpu.memref_slice %arg4[%mul3A_2] : memref<2048xi32, #tpu.memory_space<hbm>> -> memref<64xi32, #tpu.memory_space<hbm>>
      %dma_wait3A_24 = tpu.memref_slice %arg4[%mul3A_2] : memref<2048xi32, #tpu.memory_space<hbm>> -> memref<64xi32, #tpu.memory_space<hbm>>
      tpu.wait_dma2 semaphore(%run_scoped3A : memref<!tpu.dma_semaphore, #tpu.memory_space<semaphore_mem>>) src(%dma_wait3A_24 : memref<64xi32, #tpu.memory_space<hbm>>) dst(%arg8 : memref<64xi32, #tpu.memory_space<vmem>>)
      tpu.yield
    }) : () -> ()
    %mul3A_3 = arith.constant 2 : i32
    %mul3A_4 = arith.muli %mul3A_3, %mul3A_2 : i32
    "tpu.region"() ({
      %run_scoped3A = tpu.sem_alloc : memref<!tpu.dma_semaphore, #tpu.memory_space<semaphore_mem>>
      %dma_start3A_21 = tpu.memref_slice %arg5[%mul3A_4] : memref<4096xf32, #tpu.memory_space<hbm>> -> memref<128xf32, #tpu.memory_space<hbm>>
      %dma_start3A_22 = tpu.memref_slice %arg5[%mul3A_4] : memref<4096xf32, #tpu.memory_space<hbm>> -> memref<128xf32, #tpu.memory_space<hbm>>
      tpu.enqueue_dma source(%dma_start3A_22 : memref<128xf32, #tpu.memory_space<hbm>>) target(%arg9 : memref<128xf32, #tpu.memory_space<vmem>>) target_semaphore(%run_scoped3A : memref<!tpu.dma_semaphore, #tpu.memory_space<semaphore_mem>>)
      %dma_wait3A_23 = tpu.memref_slice %arg5[%mul3A_4] : memref<4096xf32, #tpu.memory_space<hbm>> -> memref<128xf32, #tpu.memory_space<hbm>>
      %dma_wait3A_24 = tpu.memref_slice %arg5[%mul3A_4] : memref<4096xf32, #tpu.memory_space<hbm>> -> memref<128xf32, #tpu.memory_space<hbm>>
      tpu.wait_dma2 semaphore(%run_scoped3A : memref<!tpu.dma_semaphore, #tpu.memory_space<semaphore_mem>>) src(%dma_wait3A_24 : memref<128xf32, #tpu.memory_space<hbm>>) dst(%arg9 : memref<128xf32, #tpu.memory_space<vmem>>)
      tpu.yield
    }) : () -> ()
    %dma_start3A = arith.constant 0 : i32
    %dma_start3A_5 = arith.constant 0 : i32
    %dma_start3A_6 = tpu.memref_slice %arg2[%dma_start3A, %dma_start3A_5] : memref<12352x768xf32, #tpu.memory_space<hbm>> -> memref<12352x768xf32, #tpu.memory_space<hbm>>
    tpu.enqueue_indirect_dma source(%dma_start3A_6 : memref<12352x768xf32, #tpu.memory_space<hbm>>) target(%arg10 : memref<64x768xf32, #tpu.memory_space<vmem>>) offsets(%arg7 : memref<64xi32, #tpu.memory_space<vmem>>) semaphore(%arg12 : memref<!tpu.dma_semaphore, #tpu.memory_space<semaphore_mem>>)
    %dma_start3A_7 = arith.constant 0 : i32
    %dma_start3A_8 = arith.constant 0 : i32
    %dma_start3A_9 = tpu.memref_slice %arg2[%dma_start3A_7, %dma_start3A_8] : memref<12352x768xf32, #tpu.memory_space<hbm>> -> memref<12352x768xf32, #tpu.memory_space<hbm>>
    tpu.enqueue_indirect_dma source(%dma_start3A_9 : memref<12352x768xf32, #tpu.memory_space<hbm>>) target(%arg11 : memref<64x768xf32, #tpu.memory_space<vmem>>) offsets(%arg8 : memref<64xi32, #tpu.memory_space<vmem>>) semaphore(%arg13 : memref<!tpu.dma_semaphore, #tpu.memory_space<semaphore_mem>>)
    %dma_wait3A = arith.constant 0 : i32
    %dma_wait3A_10 = arith.constant 0 : i32
    %dma_wait3A_11 = tpu.memref_slice %arg2[%dma_wait3A, %dma_wait3A_10] : memref<12352x768xf32, #tpu.memory_space<hbm>> -> memref<12352x768xf32, #tpu.memory_space<hbm>>
    tpu.wait_indirect_dma semaphore(%arg12 : memref<!tpu.dma_semaphore, #tpu.memory_space<semaphore_mem>>) src(%dma_wait3A_11 : memref<12352x768xf32, #tpu.memory_space<hbm>>) dst(%arg10 : memref<64x768xf32, #tpu.memory_space<vmem>>)
    %dma_wait3A_12 = arith.constant 0 : i32
    %dma_wait3A_13 = arith.constant 0 : i32
    %dma_wait3A_14 = tpu.memref_slice %arg2[%dma_wait3A_12, %dma_wait3A_13] : memref<12352x768xf32, #tpu.memory_space<hbm>> -> memref<12352x768xf32, #tpu.memory_space<hbm>>
    tpu.wait_indirect_dma semaphore(%arg13 : memref<!tpu.dma_semaphore, #tpu.memory_space<semaphore_mem>>) src(%dma_wait3A_14 : memref<12352x768xf32, #tpu.memory_space<hbm>>) dst(%arg11 : memref<64x768xf32, #tpu.memory_space<vmem>>)
    %scan3A = arith.constant 0 : i32
    %scan3A_15 = arith.constant 0 : i32
    %scan3A_16 = arith.constant 8 : i32
    %scan3A_17 = arith.addi %scan3A_15, %scan3A_16 : i32
    %scan3A_18 = arith.constant 1 : i32
    %scan3A_19 = scf.for %scan3A_21 = %scan3A_15 to %scan3A_17 step %scan3A_18 iter_args(%scan3A_22 = %scan3A) -> (i32)  : i32 {
      %mul3A_23 = arith.constant 16 : i32
      %mul3A_24 = arith.muli %scan3A_21, %mul3A_23 : i32
      %get3A = arith.index_cast %mul3A_24 : i32 to index
      %get3A_25 = tpu.vector_load %arg9[%get3A] {strides = array<i32>} : memref<128xf32, #tpu.memory_space<vmem>>, vector<16xf32>,
      %get3A_26 = vector.shape_cast %get3A_25 : vector<16xf32> to vector<16xf32>
      %mul3A_27 = arith.constant 8 : i32
      %mul3A_28 = arith.muli %scan3A_21, %mul3A_27 : i32
      %add3A_29 = arith.constant 0 : i32
      %add3A_30 = arith.addi %mul3A_28, %add3A_29 : i32
      %slice3A = vector.extract_strided_slice %get3A_26 {offsets = [0], sizes = [1], strides = [1]} : vector<16xf32> to vector<1xf32>
      %squeeze3A = vector.extract %slice3A[0] : f32 from vector<1xf32>
      %slice3A_31 = vector.extract_strided_slice %get3A_26 {offsets = [1], sizes = [1], strides = [1]} : vector<16xf32> to vector<1xf32>
      %squeeze3A_32 = vector.extract %slice3A_31[0] : f32 from vector<1xf32>
      %scan3A_33 = arith.constant 0 : i32
      %scan3A_34 = arith.constant 0 : i32
      %scan3A_35 = arith.constant 48 : i32
      %scan3A_36 = arith.addi %scan3A_34, %scan3A_35 : i32
      %scan3A_37 = arith.constant 1 : i32
      %scan3A_38 = scf.for %scan3A_146 = %scan3A_34 to %scan3A_36 step %scan3A_37 iter_args(%scan3A_147 = %scan3A_33) -> (i32)  : i32 {
        %mul3A_148 = arith.constant 16 : i32
        %mul3A_149 = arith.muli %scan3A_146, %mul3A_148 : i32
        %get3A_150 = arith.index_cast %add3A_30 : i32 to index
        %get3A_151 = arith.index_cast %mul3A_149 : i32 to index
        %get3A_152 = tpu.vector_load %arg10[%get3A_150, %get3A_151] {strides = array<i32>} : memref<64x768xf32, #tpu.memory_space<vmem>>, vector<1x16xf32>,
        %get3A_153 = vector.shape_cast %get3A_152 : vector<1x16xf32> to vector<16xf32>
        %mul3A_154 = arith.constant 16 : i32
        %mul3A_155 = arith.muli %scan3A_146, %mul3A_154 : i32
        %get3A_156 = arith.index_cast %add3A_30 : i32 to index
        %get3A_157 = arith.index_cast %mul3A_155 : i32 to index
        %get3A_158 = tpu.vector_load %arg11[%get3A_156, %get3A_157] {strides = array<i32>} : memref<64x768xf32, #tpu.memory_space<vmem>>, vector<1x16xf32>,
        %get3A_159 = vector.shape_cast %get3A_158 : vector<1x16xf32> to vector<16xf32>
        %mul3A_160 = vector.broadcast %squeeze3A : f32 to vector<16xf32>
        %mul3A_161 = arith.mulf %mul3A_160, %get3A_153 : vector<16xf32>
        %mul3A_162 = vector.broadcast %squeeze3A_32 : f32 to vector<16xf32>
        %mul3A_163 = arith.mulf %mul3A_162, %get3A_159 : vector<16xf32>
        %add3A_164 = arith.addf %mul3A_161, %mul3A_163 : vector<16xf32>
        %mul3A_165 = arith.constant 16 : i32
        %mul3A_166 = arith.muli %scan3A_146, %mul3A_165 : i32
        %swap3A = arith.index_cast %add3A_30 : i32 to index
        %swap3A_167 = arith.index_cast %mul3A_166 : i32 to index
        %swap3A_168 = tpu.vector_load %arg10[%swap3A, %swap3A_167] {strides = array<i32>} : memref<64x768xf32, #tpu.memory_space<vmem>>, vector<1x16xf32>,
        %swap3A_169 = vector.shape_cast %swap3A_168 : vector<1x16xf32> to vector<16xf32>
        %swap3A_170 = vector.shape_cast %add3A_164 : vector<16xf32> to vector<1x16xf32>
        tpu.vector_store %arg10[%swap3A, %swap3A_167], %swap3A_170 {strides = array<i32>} : memref<64x768xf32, #tpu.memory_space<vmem>>, vector<1x16xf32>,
        %scan3A_171 = arith.constant 0 : i32
        scf.yield %scan3A_171 : i32
      }
      %scan3A_39 = arith.constant 48 : i32
      %mul3A_40 = arith.constant 8 : i32
      %mul3A_41 = arith.muli %scan3A_21, %mul3A_40 : i32
      %add3A_42 = arith.constant 1 : i32
      %add3A_43 = arith.addi %mul3A_41, %add3A_42 : i32
      %slice3A_44 = vector.extract_strided_slice %get3A_26 {offsets = [2], sizes = [1], strides = [1]} : vector<16xf32> to vector<1xf32>
      %squeeze3A_45 = vector.extract %slice3A_44[0] : f32 from vector<1xf32>
      %slice3A_46 = vector.extract_strided_slice %get3A_26 {offsets = [3], sizes = [1], strides = [1]} : vector<16xf32> to vector<1xf32>
      %squeeze3A_47 = vector.extract %slice3A_46[0] : f32 from vector<1xf32>
      %scan3A_48 = arith.constant 0 : i32
      %scan3A_49 = arith.constant 0 : i32
      %scan3A_50 = arith.constant 48 : i32
      %scan3A_51 = arith.addi %scan3A_49, %scan3A_50 : i32
      %scan3A_52 = arith.constant 1 : i32
      %scan3A_53 = scf.for %scan3A_146 = %scan3A_49 to %scan3A_51 step %scan3A_52 iter_args(%scan3A_147 = %scan3A_48) -> (i32)  : i32 {
        %mul3A_148 = arith.constant 16 : i32
        %mul3A_149 = arith.muli %scan3A_146, %mul3A_148 : i32
        %get3A_150 = arith.index_cast %add3A_43 : i32 to index
        %get3A_151 = arith.index_cast %mul3A_149 : i32 to index
        %get3A_152 = tpu.vector_load %arg10[%get3A_150, %get3A_151] {strides = array<i32>} : memref<64x768xf32, #tpu.memory_space<vmem>>, vector<1x16xf32>,
        %get3A_153 = vector.shape_cast %get3A_152 : vector<1x16xf32> to vector<16xf32>
        %mul3A_154 = arith.constant 16 : i32
        %mul3A_155 = arith.muli %scan3A_146, %mul3A_154 : i32
        %get3A_156 = arith.index_cast %add3A_43 : i32 to index
        %get3A_157 = arith.index_cast %mul3A_155 : i32 to index
        %get3A_158 = tpu.vector_load %arg11[%get3A_156, %get3A_157] {strides = array<i32>} : memref<64x768xf32, #tpu.memory_space<vmem>>, vector<1x16xf32>,
        %get3A_159 = vector.shape_cast %get3A_158 : vector<1x16xf32> to vector<16xf32>
        %mul3A_160 = vector.broadcast %squeeze3A_45 : f32 to vector<16xf32>
        %mul3A_161 = arith.mulf %mul3A_160, %get3A_153 : vector<16xf32>
        %mul3A_162 = vector.broadcast %squeeze3A_47 : f32 to vector<16xf32>
        %mul3A_163 = arith.mulf %mul3A_162, %get3A_159 : vector<16xf32>
        %add3A_164 = arith.addf %mul3A_161, %mul3A_163 : vector<16xf32>
        %mul3A_165 = arith.constant 16 : i32
        %mul3A_166 = arith.muli %scan3A_146, %mul3A_165 : i32
        %swap3A = arith.index_cast %add3A_43 : i32 to index
        %swap3A_167 = arith.index_cast %mul3A_166 : i32 to index
        %swap3A_168 = tpu.vector_load %arg10[%swap3A, %swap3A_167] {strides = array<i32>} : memref<64x768xf32, #tpu.memory_space<vmem>>, vector<1x16xf32>,
        %swap3A_169 = vector.shape_cast %swap3A_168 : vector<1x16xf32> to vector<16xf32>
        %swap3A_170 = vector.shape_cast %add3A_164 : vector<16xf32> to vector<1x16xf32>
        tpu.vector_store %arg10[%swap3A, %swap3A_167], %swap3A_170 {strides = array<i32>} : memref<64x768xf32, #tpu.memory_space<vmem>>, vector<1x16xf32>,
        %scan3A_171 = arith.constant 0 : i32
        scf.yield %scan3A_171 : i32
      }
      %scan3A_54 = arith.constant 48 : i32
      %mul3A_55 = arith.constant 8 : i32
      %mul3A_56 = arith.muli %scan3A_21, %mul3A_55 : i32
      %add3A_57 = arith.constant 2 : i32
      %add3A_58 = arith.addi %mul3A_56, %add3A_57 : i32
      %slice3A_59 = vector.extract_strided_slice %get3A_26 {offsets = [4], sizes = [1], strides = [1]} : vector<16xf32> to vector<1xf32>
      %squeeze3A_60 = vector.extract %slice3A_59[0] : f32 from vector<1xf32>
      %slice3A_61 = vector.extract_strided_slice %get3A_26 {offsets = [5], sizes = [1], strides = [1]} : vector<16xf32> to vector<1xf32>
      %squeeze3A_62 = vector.extract %slice3A_61[0] : f32 from vector<1xf32>
      %scan3A_63 = arith.constant 0 : i32
      %scan3A_64 = arith.constant 0 : i32
      %scan3A_65 = arith.constant 48 : i32
      %scan3A_66 = arith.addi %scan3A_64, %scan3A_65 : i32
      %scan3A_67 = arith.constant 1 : i32
      %scan3A_68 = scf.for %scan3A_146 = %scan3A_64 to %scan3A_66 step %scan3A_67 iter_args(%scan3A_147 = %scan3A_63) -> (i32)  : i32 {
        %mul3A_148 = arith.constant 16 : i32
        %mul3A_149 = arith.muli %scan3A_146, %mul3A_148 : i32
        %get3A_150 = arith.index_cast %add3A_58 : i32 to index
        %get3A_151 = arith.index_cast %mul3A_149 : i32 to index
        %get3A_152 = tpu.vector_load %arg10[%get3A_150, %get3A_151] {strides = array<i32>} : memref<64x768xf32, #tpu.memory_space<vmem>>, vector<1x16xf32>,
        %get3A_153 = vector.shape_cast %get3A_152 : vector<1x16xf32> to vector<16xf32>
        %mul3A_154 = arith.constant 16 : i32
        %mul3A_155 = arith.muli %scan3A_146, %mul3A_154 : i32
        %get3A_156 = arith.index_cast %add3A_58 : i32 to index
        %get3A_157 = arith.index_cast %mul3A_155 : i32 to index
        %get3A_158 = tpu.vector_load %arg11[%get3A_156, %get3A_157] {strides = array<i32>} : memref<64x768xf32, #tpu.memory_space<vmem>>, vector<1x16xf32>,
        %get3A_159 = vector.shape_cast %get3A_158 : vector<1x16xf32> to vector<16xf32>
        %mul3A_160 = vector.broadcast %squeeze3A_60 : f32 to vector<16xf32>
        %mul3A_161 = arith.mulf %mul3A_160, %get3A_153 : vector<16xf32>
        %mul3A_162 = vector.broadcast %squeeze3A_62 : f32 to vector<16xf32>
        %mul3A_163 = arith.mulf %mul3A_162, %get3A_159 : vector<16xf32>
        %add3A_164 = arith.addf %mul3A_161, %mul3A_163 : vector<16xf32>
        %mul3A_165 = arith.constant 16 : i32
        %mul3A_166 = arith.muli %scan3A_146, %mul3A_165 : i32
        %swap3A = arith.index_cast %add3A_58 : i32 to index
        %swap3A_167 = arith.index_cast %mul3A_166 : i32 to index
        %swap3A_168 = tpu.vector_load %arg10[%swap3A, %swap3A_167] {strides = array<i32>} : memref<64x768xf32, #tpu.memory_space<vmem>>, vector<1x16xf32>,
        %swap3A_169 = vector.shape_cast %swap3A_168 : vector<1x16xf32> to vector<16xf32>
        %swap3A_170 = vector.shape_cast %add3A_164 : vector<16xf32> to vector<1x16xf32>
        tpu.vector_store %arg10[%swap3A, %swap3A_167], %swap3A_170 {strides = array<i32>} : memref<64x768xf32, #tpu.memory_space<vmem>>, vector<1x16xf32>,
        %scan3A_171 = arith.constant 0 : i32
        scf.yield %scan3A_171 : i32
      }
      %scan3A_69 = arith.constant 48 : i32
      %mul3A_70 = arith.constant 8 : i32
      %mul3A_71 = arith.muli %scan3A_21, %mul3A_70 : i32
      %add3A_72 = arith.constant 3 : i32
      %add3A_73 = arith.addi %mul3A_71, %add3A_72 : i32
      %slice3A_74 = vector.extract_strided_slice %get3A_26 {offsets = [6], sizes = [1], strides = [1]} : vector<16xf32> to vector<1xf32>
      %squeeze3A_75 = vector.extract %slice3A_74[0] : f32 from vector<1xf32>
      %slice3A_76 = vector.extract_strided_slice %get3A_26 {offsets = [7], sizes = [1], strides = [1]} : vector<16xf32> to vector<1xf32>
      %squeeze3A_77 = vector.extract %slice3A_76[0] : f32 from vector<1xf32>
      %scan3A_78 = arith.constant 0 : i32
      %scan3A_79 = arith.constant 0 : i32
      %scan3A_80 = arith.constant 48 : i32
      %scan3A_81 = arith.addi %scan3A_79, %scan3A_80 : i32
      %scan3A_82 = arith.constant 1 : i32
      %scan3A_83 = scf.for %scan3A_146 = %scan3A_79 to %scan3A_81 step %scan3A_82 iter_args(%scan3A_147 = %scan3A_78) -> (i32)  : i32 {
        %mul3A_148 = arith.constant 16 : i32
        %mul3A_149 = arith.muli %scan3A_146, %mul3A_148 : i32
        %get3A_150 = arith.index_cast %add3A_73 : i32 to index
        %get3A_151 = arith.index_cast %mul3A_149 : i32 to index
        %get3A_152 = tpu.vector_load %arg10[%get3A_150, %get3A_151] {strides = array<i32>} : memref<64x768xf32, #tpu.memory_space<vmem>>, vector<1x16xf32>,
        %get3A_153 = vector.shape_cast %get3A_152 : vector<1x16xf32> to vector<16xf32>
        %mul3A_154 = arith.constant 16 : i32
        %mul3A_155 = arith.muli %scan3A_146, %mul3A_154 : i32
        %get3A_156 = arith.index_cast %add3A_73 : i32 to index
        %get3A_157 = arith.index_cast %mul3A_155 : i32 to index
        %get3A_158 = tpu.vector_load %arg11[%get3A_156, %get3A_157] {strides = array<i32>} : memref<64x768xf32, #tpu.memory_space<vmem>>, vector<1x16xf32>,
        %get3A_159 = vector.shape_cast %get3A_158 : vector<1x16xf32> to vector<16xf32>
        %mul3A_160 = vector.broadcast %squeeze3A_75 : f32 to vector<16xf32>
        %mul3A_161 = arith.mulf %mul3A_160, %get3A_153 : vector<16xf32>
        %mul3A_162 = vector.broadcast %squeeze3A_77 : f32 to vector<16xf32>
        %mul3A_163 = arith.mulf %mul3A_162, %get3A_159 : vector<16xf32>
        %add3A_164 = arith.addf %mul3A_161, %mul3A_163 : vector<16xf32>
        %mul3A_165 = arith.constant 16 : i32
        %mul3A_166 = arith.muli %scan3A_146, %mul3A_165 : i32
        %swap3A = arith.index_cast %add3A_73 : i32 to index
        %swap3A_167 = arith.index_cast %mul3A_166 : i32 to index
        %swap3A_168 = tpu.vector_load %arg10[%swap3A, %swap3A_167] {strides = array<i32>} : memref<64x768xf32, #tpu.memory_space<vmem>>, vector<1x16xf32>,
        %swap3A_169 = vector.shape_cast %swap3A_168 : vector<1x16xf32> to vector<16xf32>
        %swap3A_170 = vector.shape_cast %add3A_164 : vector<16xf32> to vector<1x16xf32>
        tpu.vector_store %arg10[%swap3A, %swap3A_167], %swap3A_170 {strides = array<i32>} : memref<64x768xf32, #tpu.memory_space<vmem>>, vector<1x16xf32>,
        %scan3A_171 = arith.constant 0 : i32
        scf.yield %scan3A_171 : i32
      }
      %scan3A_84 = arith.constant 48 : i32
      %mul3A_85 = arith.constant 8 : i32
      %mul3A_86 = arith.muli %scan3A_21, %mul3A_85 : i32
      %add3A_87 = arith.constant 4 : i32
      %add3A_88 = arith.addi %mul3A_86, %add3A_87 : i32
      %slice3A_89 = vector.extract_strided_slice %get3A_26 {offsets = [8], sizes = [1], strides = [1]} : vector<16xf32> to vector<1xf32>
      %squeeze3A_90 = vector.extract %slice3A_89[0] : f32 from vector<1xf32>
      %slice3A_91 = vector.extract_strided_slice %get3A_26 {offsets = [9], sizes = [1], strides = [1]} : vector<16xf32> to vector<1xf32>
      %squeeze3A_92 = vector.extract %slice3A_91[0] : f32 from vector<1xf32>
      %scan3A_93 = arith.constant 0 : i32
      %scan3A_94 = arith.constant 0 : i32
      %scan3A_95 = arith.constant 48 : i32
      %scan3A_96 = arith.addi %scan3A_94, %scan3A_95 : i32
      %scan3A_97 = arith.constant 1 : i32
      %scan3A_98 = scf.for %scan3A_146 = %scan3A_94 to %scan3A_96 step %scan3A_97 iter_args(%scan3A_147 = %scan3A_93) -> (i32)  : i32 {
        %mul3A_148 = arith.constant 16 : i32
        %mul3A_149 = arith.muli %scan3A_146, %mul3A_148 : i32
        %get3A_150 = arith.index_cast %add3A_88 : i32 to index
        %get3A_151 = arith.index_cast %mul3A_149 : i32 to index
        %get3A_152 = tpu.vector_load %arg10[%get3A_150, %get3A_151] {strides = array<i32>} : memref<64x768xf32, #tpu.memory_space<vmem>>, vector<1x16xf32>,
        %get3A_153 = vector.shape_cast %get3A_152 : vector<1x16xf32> to vector<16xf32>
        %mul3A_154 = arith.constant 16 : i32
        %mul3A_155 = arith.muli %scan3A_146, %mul3A_154 : i32
        %get3A_156 = arith.index_cast %add3A_88 : i32 to index
        %get3A_157 = arith.index_cast %mul3A_155 : i32 to index
        %get3A_158 = tpu.vector_load %arg11[%get3A_156, %get3A_157] {strides = array<i32>} : memref<64x768xf32, #tpu.memory_space<vmem>>, vector<1x16xf32>,
        %get3A_159 = vector.shape_cast %get3A_158 : vector<1x16xf32> to vector<16xf32>
        %mul3A_160 = vector.broadcast %squeeze3A_90 : f32 to vector<16xf32>
        %mul3A_161 = arith.mulf %mul3A_160, %get3A_153 : vector<16xf32>
        %mul3A_162 = vector.broadcast %squeeze3A_92 : f32 to vector<16xf32>
        %mul3A_163 = arith.mulf %mul3A_162, %get3A_159 : vector<16xf32>
        %add3A_164 = arith.addf %mul3A_161, %mul3A_163 : vector<16xf32>
        %mul3A_165 = arith.constant 16 : i32
        %mul3A_166 = arith.muli %scan3A_146, %mul3A_165 : i32
        %swap3A = arith.index_cast %add3A_88 : i32 to index
        %swap3A_167 = arith.index_cast %mul3A_166 : i32 to index
        %swap3A_168 = tpu.vector_load %arg10[%swap3A, %swap3A_167] {strides = array<i32>} : memref<64x768xf32, #tpu.memory_space<vmem>>, vector<1x16xf32>,
        %swap3A_169 = vector.shape_cast %swap3A_168 : vector<1x16xf32> to vector<16xf32>
        %swap3A_170 = vector.shape_cast %add3A_164 : vector<16xf32> to vector<1x16xf32>
        tpu.vector_store %arg10[%swap3A, %swap3A_167], %swap3A_170 {strides = array<i32>} : memref<64x768xf32, #tpu.memory_space<vmem>>, vector<1x16xf32>,
        %scan3A_171 = arith.constant 0 : i32
        scf.yield %scan3A_171 : i32
      }
      %scan3A_99 = arith.constant 48 : i32
      %mul3A_100 = arith.constant 8 : i32
      %mul3A_101 = arith.muli %scan3A_21, %mul3A_100 : i32
      %add3A_102 = arith.constant 5 : i32
      %add3A_103 = arith.addi %mul3A_101, %add3A_102 : i32
      %slice3A_104 = vector.extract_strided_slice %get3A_26 {offsets = [10], sizes = [1], strides = [1]} : vector<16xf32> to vector<1xf32>
      %squeeze3A_105 = vector.extract %slice3A_104[0] : f32 from vector<1xf32>
      %slice3A_106 = vector.extract_strided_slice %get3A_26 {offsets = [11], sizes = [1], strides = [1]} : vector<16xf32> to vector<1xf32>
      %squeeze3A_107 = vector.extract %slice3A_106[0] : f32 from vector<1xf32>
      %scan3A_108 = arith.constant 0 : i32
      %scan3A_109 = arith.constant 0 : i32
      %scan3A_110 = arith.constant 48 : i32
      %scan3A_111 = arith.addi %scan3A_109, %scan3A_110 : i32
      %scan3A_112 = arith.constant 1 : i32
      %scan3A_113 = scf.for %scan3A_146 = %scan3A_109 to %scan3A_111 step %scan3A_112 iter_args(%scan3A_147 = %scan3A_108) -> (i32)  : i32 {
        %mul3A_148 = arith.constant 16 : i32
        %mul3A_149 = arith.muli %scan3A_146, %mul3A_148 : i32
        %get3A_150 = arith.index_cast %add3A_103 : i32 to index
        %get3A_151 = arith.index_cast %mul3A_149 : i32 to index
        %get3A_152 = tpu.vector_load %arg10[%get3A_150, %get3A_151] {strides = array<i32>} : memref<64x768xf32, #tpu.memory_space<vmem>>, vector<1x16xf32>,
        %get3A_153 = vector.shape_cast %get3A_152 : vector<1x16xf32> to vector<16xf32>
        %mul3A_154 = arith.constant 16 : i32
        %mul3A_155 = arith.muli %scan3A_146, %mul3A_154 : i32
        %get3A_156 = arith.index_cast %add3A_103 : i32 to index
        %get3A_157 = arith.index_cast %mul3A_155 : i32 to index
        %get3A_158 = tpu.vector_load %arg11[%get3A_156, %get3A_157] {strides = array<i32>} : memref<64x768xf32, #tpu.memory_space<vmem>>, vector<1x16xf32>,
        %get3A_159 = vector.shape_cast %get3A_158 : vector<1x16xf32> to vector<16xf32>
        %mul3A_160 = vector.broadcast %squeeze3A_105 : f32 to vector<16xf32>
        %mul3A_161 = arith.mulf %mul3A_160, %get3A_153 : vector<16xf32>
        %mul3A_162 = vector.broadcast %squeeze3A_107 : f32 to vector<16xf32>
        %mul3A_163 = arith.mulf %mul3A_162, %get3A_159 : vector<16xf32>
        %add3A_164 = arith.addf %mul3A_161, %mul3A_163 : vector<16xf32>
        %mul3A_165 = arith.constant 16 : i32
        %mul3A_166 = arith.muli %scan3A_146, %mul3A_165 : i32
        %swap3A = arith.index_cast %add3A_103 : i32 to index
        %swap3A_167 = arith.index_cast %mul3A_166 : i32 to index
        %swap3A_168 = tpu.vector_load %arg10[%swap3A, %swap3A_167] {strides = array<i32>} : memref<64x768xf32, #tpu.memory_space<vmem>>, vector<1x16xf32>,
        %swap3A_169 = vector.shape_cast %swap3A_168 : vector<1x16xf32> to vector<16xf32>
        %swap3A_170 = vector.shape_cast %add3A_164 : vector<16xf32> to vector<1x16xf32>
        tpu.vector_store %arg10[%swap3A, %swap3A_167], %swap3A_170 {strides = array<i32>} : memref<64x768xf32, #tpu.memory_space<vmem>>, vector<1x16xf32>,
        %scan3A_171 = arith.constant 0 : i32
        scf.yield %scan3A_171 : i32
      }
      %scan3A_114 = arith.constant 48 : i32
      %mul3A_115 = arith.constant 8 : i32
      %mul3A_116 = arith.muli %scan3A_21, %mul3A_115 : i32
      %add3A_117 = arith.constant 6 : i32
      %add3A_118 = arith.addi %mul3A_116, %add3A_117 : i32
      %slice3A_119 = vector.extract_strided_slice %get3A_26 {offsets = [12], sizes = [1], strides = [1]} : vector<16xf32> to vector<1xf32>
      %squeeze3A_120 = vector.extract %slice3A_119[0] : f32 from vector<1xf32>
      %slice3A_121 = vector.extract_strided_slice %get3A_26 {offsets = [13], sizes = [1], strides = [1]} : vector<16xf32> to vector<1xf32>
      %squeeze3A_122 = vector.extract %slice3A_121[0] : f32 from vector<1xf32>
      %scan3A_123 = arith.constant 0 : i32
      %scan3A_124 = arith.constant 0 : i32
      %scan3A_125 = arith.constant 48 : i32
      %scan3A_126 = arith.addi %scan3A_124, %scan3A_125 : i32
      %scan3A_127 = arith.constant 1 : i32
      %scan3A_128 = scf.for %scan3A_146 = %scan3A_124 to %scan3A_126 step %scan3A_127 iter_args(%scan3A_147 = %scan3A_123) -> (i32)  : i32 {
        %mul3A_148 = arith.constant 16 : i32
        %mul3A_149 = arith.muli %scan3A_146, %mul3A_148 : i32
        %get3A_150 = arith.index_cast %add3A_118 : i32 to index
        %get3A_151 = arith.index_cast %mul3A_149 : i32 to index
        %get3A_152 = tpu.vector_load %arg10[%get3A_150, %get3A_151] {strides = array<i32>} : memref<64x768xf32, #tpu.memory_space<vmem>>, vector<1x16xf32>,
        %get3A_153 = vector.shape_cast %get3A_152 : vector<1x16xf32> to vector<16xf32>
        %mul3A_154 = arith.constant 16 : i32
        %mul3A_155 = arith.muli %scan3A_146, %mul3A_154 : i32
        %get3A_156 = arith.index_cast %add3A_118 : i32 to index
        %get3A_157 = arith.index_cast %mul3A_155 : i32 to index
        %get3A_158 = tpu.vector_load %arg11[%get3A_156, %get3A_157] {strides = array<i32>} : memref<64x768xf32, #tpu.memory_space<vmem>>, vector<1x16xf32>,
        %get3A_159 = vector.shape_cast %get3A_158 : vector<1x16xf32> to vector<16xf32>
        %mul3A_160 = vector.broadcast %squeeze3A_120 : f32 to vector<16xf32>
        %mul3A_161 = arith.mulf %mul3A_160, %get3A_153 : vector<16xf32>
        %mul3A_162 = vector.broadcast %squeeze3A_122 : f32 to vector<16xf32>
        %mul3A_163 = arith.mulf %mul3A_162, %get3A_159 : vector<16xf32>
        %add3A_164 = arith.addf %mul3A_161, %mul3A_163 : vector<16xf32>
        %mul3A_165 = arith.constant 16 : i32
        %mul3A_166 = arith.muli %scan3A_146, %mul3A_165 : i32
        %swap3A = arith.index_cast %add3A_118 : i32 to index
        %swap3A_167 = arith.index_cast %mul3A_166 : i32 to index
        %swap3A_168 = tpu.vector_load %arg10[%swap3A, %swap3A_167] {strides = array<i32>} : memref<64x768xf32, #tpu.memory_space<vmem>>, vector<1x16xf32>,
        %swap3A_169 = vector.shape_cast %swap3A_168 : vector<1x16xf32> to vector<16xf32>
        %swap3A_170 = vector.shape_cast %add3A_164 : vector<16xf32> to vector<1x16xf32>
        tpu.vector_store %arg10[%swap3A, %swap3A_167], %swap3A_170 {strides = array<i32>} : memref<64x768xf32, #tpu.memory_space<vmem>>, vector<1x16xf32>,
        %scan3A_171 = arith.constant 0 : i32
        scf.yield %scan3A_171 : i32
      }
      %scan3A_129 = arith.constant 48 : i32
      %mul3A_130 = arith.constant 8 : i32
      %mul3A_131 = arith.muli %scan3A_21, %mul3A_130 : i32
      %add3A_132 = arith.constant 7 : i32
      %add3A_133 = arith.addi %mul3A_131, %add3A_132 : i32
      %slice3A_134 = vector.extract_strided_slice %get3A_26 {offsets = [14], sizes = [1], strides = [1]} : vector<16xf32> to vector<1xf32>
      %squeeze3A_135 = vector.extract %slice3A_134[0] : f32 from vector<1xf32>
      %slice3A_136 = vector.extract_strided_slice %get3A_26 {offsets = [15], sizes = [1], strides = [1]} : vector<16xf32> to vector<1xf32>
      %squeeze3A_137 = vector.extract %slice3A_136[0] : f32 from vector<1xf32>
      %scan3A_138 = arith.constant 0 : i32
      %scan3A_139 = arith.constant 0 : i32
      %scan3A_140 = arith.constant 48 : i32
      %scan3A_141 = arith.addi %scan3A_139, %scan3A_140 : i32
      %scan3A_142 = arith.constant 1 : i32
      %scan3A_143 = scf.for %scan3A_146 = %scan3A_139 to %scan3A_141 step %scan3A_142 iter_args(%scan3A_147 = %scan3A_138) -> (i32)  : i32 {
        %mul3A_148 = arith.constant 16 : i32
        %mul3A_149 = arith.muli %scan3A_146, %mul3A_148 : i32
        %get3A_150 = arith.index_cast %add3A_133 : i32 to index
        %get3A_151 = arith.index_cast %mul3A_149 : i32 to index
        %get3A_152 = tpu.vector_load %arg10[%get3A_150, %get3A_151] {strides = array<i32>} : memref<64x768xf32, #tpu.memory_space<vmem>>, vector<1x16xf32>,
        %get3A_153 = vector.shape_cast %get3A_152 : vector<1x16xf32> to vector<16xf32>
        %mul3A_154 = arith.constant 16 : i32
        %mul3A_155 = arith.muli %scan3A_146, %mul3A_154 : i32
        %get3A_156 = arith.index_cast %add3A_133 : i32 to index
        %get3A_157 = arith.index_cast %mul3A_155 : i32 to index
        %get3A_158 = tpu.vector_load %arg11[%get3A_156, %get3A_157] {strides = array<i32>} : memref<64x768xf32, #tpu.memory_space<vmem>>, vector<1x16xf32>,
        %get3A_159 = vector.shape_cast %get3A_158 : vector<1x16xf32> to vector<16xf32>
        %mul3A_160 = vector.broadcast %squeeze3A_135 : f32 to vector<16xf32>
        %mul3A_161 = arith.mulf %mul3A_160, %get3A_153 : vector<16xf32>
        %mul3A_162 = vector.broadcast %squeeze3A_137 : f32 to vector<16xf32>
        %mul3A_163 = arith.mulf %mul3A_162, %get3A_159 : vector<16xf32>
        %add3A_164 = arith.addf %mul3A_161, %mul3A_163 : vector<16xf32>
        %mul3A_165 = arith.constant 16 : i32
        %mul3A_166 = arith.muli %scan3A_146, %mul3A_165 : i32
        %swap3A = arith.index_cast %add3A_133 : i32 to index
        %swap3A_167 = arith.index_cast %mul3A_166 : i32 to index
        %swap3A_168 = tpu.vector_load %arg10[%swap3A, %swap3A_167] {strides = array<i32>} : memref<64x768xf32, #tpu.memory_space<vmem>>, vector<1x16xf32>,
        %swap3A_169 = vector.shape_cast %swap3A_168 : vector<1x16xf32> to vector<16xf32>
        %swap3A_170 = vector.shape_cast %add3A_164 : vector<16xf32> to vector<1x16xf32>
        tpu.vector_store %arg10[%swap3A, %swap3A_167], %swap3A_170 {strides = array<i32>} : memref<64x768xf32, #tpu.memory_space<vmem>>, vector<1x16xf32>,
        %scan3A_171 = arith.constant 0 : i32
        scf.yield %scan3A_171 : i32
      }
      %scan3A_144 = arith.constant 48 : i32
      %scan3A_145 = arith.constant 0 : i32
      scf.yield %scan3A_145 : i32
    }
    %scan3A_20 = arith.constant 8 : i32
    "tpu.region"() ({
      %run_scoped3A = tpu.sem_alloc : memref<!tpu.dma_semaphore, #tpu.memory_space<semaphore_mem>>
      %dma_start3A_21 = arith.constant 0 : i32
      %dma_start3A_22 = tpu.memref_slice %arg6[%mul3A_2, %dma_start3A_21] : memref<2048x768xf32, #tpu.memory_space<hbm>> -> memref<64x768xf32, #tpu.memory_space<hbm>>
      %dma_start3A_23 = arith.constant 0 : i32
      %dma_start3A_24 = tpu.memref_slice %arg6[%mul3A_2, %dma_start3A_23] : memref<2048x768xf32, #tpu.memory_space<hbm>> -> memref<64x768xf32, #tpu.memory_space<hbm>>
      tpu.enqueue_dma source(%arg10 : memref<64x768xf32, #tpu.memory_space<vmem>>) target(%dma_start3A_24 : memref<64x768xf32, #tpu.memory_space<hbm>>) target_semaphore(%run_scoped3A : memref<!tpu.dma_semaphore, #tpu.memory_space<semaphore_mem>>)
      %dma_wait3A_25 = arith.constant 0 : i32
      %dma_wait3A_26 = tpu.memref_slice %arg6[%mul3A_2, %dma_wait3A_25] : memref<2048x768xf32, #tpu.memory_space<hbm>> -> memref<64x768xf32, #tpu.memory_space<hbm>>
      %dma_wait3A_27 = arith.constant 0 : i32
      %dma_wait3A_28 = tpu.memref_slice %arg6[%mul3A_2, %dma_wait3A_27] : memref<2048x768xf32, #tpu.memory_space<hbm>> -> memref<64x768xf32, #tpu.memory_space<hbm>>
      tpu.wait_dma2 semaphore(%run_scoped3A : memref<!tpu.dma_semaphore, #tpu.memory_space<semaphore_mem>>) src(%arg10 : memref<64x768xf32, #tpu.memory_space<vmem>>) dst(%dma_wait3A_28 : memref<64x768xf32, #tpu.memory_space<hbm>>)
      tpu.yield
    }) : () -> ()
    return
  }
}

#map = affine_map<(d0, d1) -> (0, 0)>
#map1 = affine_map<(d0, d1) -> (0)>
module attributes {stable_mosaic.version = 14 : i64} {
  func.func @_dispatch_body(%arg0: i32, %arg1: i32, %arg2: memref<2048x768xf32, #tpu.memory_space<hbm>>, %arg3: memref<4096xi32, #tpu.memory_space<hbm>>, %arg4: memref<4096xi32, #tpu.memory_space<hbm>>, %arg5: memref<12352x768xf32, #tpu.memory_space<hbm>>, %arg6: memref<128xi32, #tpu.memory_space<vmem>>, %arg7: memref<128xi32, #tpu.memory_space<vmem>>, %arg8: memref<128x768xf32, #tpu.memory_space<vmem>>, %arg9: memref<!tpu.dma_semaphore, #tpu.memory_space<semaphore_mem>>) attributes {dimension_semantics = [#tpu.dimension_semantics<core_parallel>, #tpu.dimension_semantics<subcore_parallel>], iteration_bounds = array<i64: 2, 16>, scalar_prefetch = 0 : i64, scratch_operands = 4 : i64, tpu.core_type = #tpu.core_type<sc_vector_subcore>, window_params = [{transform_indices = #map}, {transform_indices = #map1}, {transform_indices = #map1}, {transform_indices = #map}]} {
    %mul3A = arith.constant 2 : i32
    %mul3A_0 = arith.muli %arg1, %mul3A : i32
    %add3A = arith.addi %mul3A_0, %arg0 : i32
    %mul3A_1 = arith.constant 128 : i32
    %mul3A_2 = arith.muli %add3A, %mul3A_1 : i32
    "tpu.region"() ({
      %run_scoped3A = tpu.sem_alloc : memref<!tpu.dma_semaphore, #tpu.memory_space<semaphore_mem>>
      %dma_start3A_13 = tpu.memref_slice %arg3[%mul3A_2] : memref<4096xi32, #tpu.memory_space<hbm>> -> memref<128xi32, #tpu.memory_space<hbm>>
      %dma_start3A_14 = tpu.memref_slice %arg3[%mul3A_2] : memref<4096xi32, #tpu.memory_space<hbm>> -> memref<128xi32, #tpu.memory_space<hbm>>
      tpu.enqueue_dma source(%dma_start3A_14 : memref<128xi32, #tpu.memory_space<hbm>>) target(%arg6 : memref<128xi32, #tpu.memory_space<vmem>>) target_semaphore(%run_scoped3A : memref<!tpu.dma_semaphore, #tpu.memory_space<semaphore_mem>>)
      %dma_wait3A_15 = tpu.memref_slice %arg3[%mul3A_2] : memref<4096xi32, #tpu.memory_space<hbm>> -> memref<128xi32, #tpu.memory_space<hbm>>
      %dma_wait3A_16 = tpu.memref_slice %arg3[%mul3A_2] : memref<4096xi32, #tpu.memory_space<hbm>> -> memref<128xi32, #tpu.memory_space<hbm>>
      tpu.wait_dma2 semaphore(%run_scoped3A : memref<!tpu.dma_semaphore, #tpu.memory_space<semaphore_mem>>) src(%dma_wait3A_16 : memref<128xi32, #tpu.memory_space<hbm>>) dst(%arg6 : memref<128xi32, #tpu.memory_space<vmem>>)
      tpu.yield
    }) : () -> ()
    "tpu.region"() ({
      %run_scoped3A = tpu.sem_alloc : memref<!tpu.dma_semaphore, #tpu.memory_space<semaphore_mem>>
      %dma_start3A_13 = tpu.memref_slice %arg4[%mul3A_2] : memref<4096xi32, #tpu.memory_space<hbm>> -> memref<128xi32, #tpu.memory_space<hbm>>
      %dma_start3A_14 = tpu.memref_slice %arg4[%mul3A_2] : memref<4096xi32, #tpu.memory_space<hbm>> -> memref<128xi32, #tpu.memory_space<hbm>>
      tpu.enqueue_dma source(%dma_start3A_14 : memref<128xi32, #tpu.memory_space<hbm>>) target(%arg7 : memref<128xi32, #tpu.memory_space<vmem>>) target_semaphore(%run_scoped3A : memref<!tpu.dma_semaphore, #tpu.memory_space<semaphore_mem>>)
      %dma_wait3A_15 = tpu.memref_slice %arg4[%mul3A_2] : memref<4096xi32, #tpu.memory_space<hbm>> -> memref<128xi32, #tpu.memory_space<hbm>>
      %dma_wait3A_16 = tpu.memref_slice %arg4[%mul3A_2] : memref<4096xi32, #tpu.memory_space<hbm>> -> memref<128xi32, #tpu.memory_space<hbm>>
      tpu.wait_dma2 semaphore(%run_scoped3A : memref<!tpu.dma_semaphore, #tpu.memory_space<semaphore_mem>>) src(%dma_wait3A_16 : memref<128xi32, #tpu.memory_space<hbm>>) dst(%arg7 : memref<128xi32, #tpu.memory_space<vmem>>)
      tpu.yield
    }) : () -> ()
    %dma_start3A = arith.constant 0 : i32
    %dma_start3A_3 = arith.constant 0 : i32
    %dma_start3A_4 = tpu.memref_slice %arg2[%dma_start3A, %dma_start3A_3] : memref<2048x768xf32, #tpu.memory_space<hbm>> -> memref<2048x768xf32, #tpu.memory_space<hbm>>
    tpu.enqueue_indirect_dma source(%dma_start3A_4 : memref<2048x768xf32, #tpu.memory_space<hbm>>) target(%arg8 : memref<128x768xf32, #tpu.memory_space<vmem>>) offsets(%arg6 : memref<128xi32, #tpu.memory_space<vmem>>) semaphore(%arg9 : memref<!tpu.dma_semaphore, #tpu.memory_space<semaphore_mem>>)
    %dma_wait3A = arith.constant 0 : i32
    %dma_wait3A_5 = arith.constant 0 : i32
    %dma_wait3A_6 = tpu.memref_slice %arg2[%dma_wait3A, %dma_wait3A_5] : memref<2048x768xf32, #tpu.memory_space<hbm>> -> memref<2048x768xf32, #tpu.memory_space<hbm>>
    tpu.wait_indirect_dma semaphore(%arg9 : memref<!tpu.dma_semaphore, #tpu.memory_space<semaphore_mem>>) src(%dma_wait3A_6 : memref<2048x768xf32, #tpu.memory_space<hbm>>) dst(%arg8 : memref<128x768xf32, #tpu.memory_space<vmem>>)
    %dma_start3A_7 = arith.constant 0 : i32
    %dma_start3A_8 = arith.constant 0 : i32
    %dma_start3A_9 = tpu.memref_slice %arg5[%dma_start3A_7, %dma_start3A_8] : memref<12352x768xf32, #tpu.memory_space<hbm>> -> memref<12352x768xf32, #tpu.memory_space<hbm>>
    tpu.enqueue_indirect_dma source(%arg8 : memref<128x768xf32, #tpu.memory_space<vmem>>) target(%dma_start3A_9 : memref<12352x768xf32, #tpu.memory_space<hbm>>) offsets(%arg7 : memref<128xi32, #tpu.memory_space<vmem>>) semaphore(%arg9 : memref<!tpu.dma_semaphore, #tpu.memory_space<semaphore_mem>>)
    %dma_wait3A_10 = arith.constant 0 : i32
    %dma_wait3A_11 = arith.constant 0 : i32
    %dma_wait3A_12 = tpu.memref_slice %arg5[%dma_wait3A_10, %dma_wait3A_11] : memref<12352x768xf32, #tpu.memory_space<hbm>> -> memref<12352x768xf32, #tpu.memory_space<hbm>>
    tpu.wait_indirect_dma semaphore(%arg9 : memref<!tpu.dma_semaphore, #tpu.memory_space<semaphore_mem>>) src(%arg8 : memref<128x768xf32, #tpu.memory_space<vmem>>) dst(%dma_wait3A_12 : memref<12352x768xf32, #tpu.memory_space<hbm>>)
    return
  }
}

module attributes {stable_mosaic.version = 14 : i64} {
  func.func @_gemm_body(%arg0: i32, %arg1: memref<64xi32, #tpu.memory_space<smem>>, %arg2: memref<64x768xf32, #tpu.memory_space<vmem>>, %arg3: memref<1x1024x768xf32, #tpu.memory_space<vmem>>, %arg4: memref<1x768x512xf32, #tpu.memory_space<vmem>>, %arg5: memref<64x768xf32, #tpu.memory_space<vmem>>) attributes {dimension_semantics = [#tpu.dimension_semantics<arbitrary>], iteration_bounds = array<i64: 193>, scalar_prefetch = 1 : i64, scratch_operands = 0 : i64, tpu.core_type = #tpu.core_type<tc>, window_params = [{transform_indices = @transform_0, window_bounds = array<i64: 64, 768>}, {transform_indices = @transform_1, window_bounds = array<i64: 1, 1024, 768>}, {transform_indices = @transform_2, window_bounds = array<i64: 1, 768, 512>}, {transform_indices = @transform_3, window_bounds = array<i64: 64, 768>}]} {
    %eq3A = arith.constant 192 : i32
    %eq3A_0 = arith.cmpi eq, %arg0, %eq3A : i32
    %convert_element_type3A = arith.extui %eq3A_0 : i1 to i32
    %cond3A = arith.constant 0 : i32
    %cond3A_1 = arith.cmpi ne, %convert_element_type3A, %cond3A : i32
    scf.if %cond3A_1 {
      %broadcast_in_dim3A = arith.constant 0.000000e+00 : f32
      %broadcast_in_dim3A_6 = vector.broadcast %broadcast_in_dim3A : f32 to vector<64x768xf32>
      %swap3A = arith.constant 0 : index
      %swap3A_7 = arith.constant 0 : index
      %swap3A_8 = vector.load %arg5[%swap3A, %swap3A_7] : memref<64x768xf32, #tpu.memory_space<vmem>>, vector<64x768xf32>
      tpu.vector_store %arg5[%swap3A, %swap3A_7], %broadcast_in_dim3A_6 {strides = array<i32>} : memref<64x768xf32, #tpu.memory_space<vmem>>, vector<64x768xf32>,
    } else {
    }
    %lt3A = arith.constant 192 : i32
    %lt3A_2 = arith.cmpi slt, %arg0, %lt3A : i32
    %convert_element_type3A_3 = arith.extui %lt3A_2 : i1 to i32
    %cond3A_4 = arith.constant 0 : i32
    %cond3A_5 = arith.cmpi ne, %convert_element_type3A_3, %cond3A_4 : i32
    scf.if %cond3A_5 {
      %jit3A = arith.constant 3 : i32
      %div3A = arith.divsi %arg0, %jit3A : i32
      %sign3A = arith.constant 0 : i32
      %sign3A_6 = arith.cmpi sgt, %arg0, %sign3A : i32
      %sign3A_7 = arith.extui %sign3A_6 : i1 to i32
      %sign3A_8 = arith.constant 0 : i32
      %sign3A_9 = arith.cmpi slt, %arg0, %sign3A_8 : i32
      %sign3A_10 = arith.extui %sign3A_9 : i1 to i32
      %sign3A_11 = arith.subi %sign3A_7, %sign3A_10 : i32
      %sign3A_12 = arith.constant 0 : i32
      %sign3A_13 = arith.cmpi sgt, %jit3A, %sign3A_12 : i32
      %sign3A_14 = arith.extui %sign3A_13 : i1 to i32
      %sign3A_15 = arith.constant 0 : i32
      %sign3A_16 = arith.cmpi slt, %jit3A, %sign3A_15 : i32
      %sign3A_17 = arith.extui %sign3A_16 : i1 to i32
      %sign3A_18 = arith.subi %sign3A_14, %sign3A_17 : i32
      %ne3A = arith.cmpi ne, %sign3A_11, %sign3A_18 : i32
      %rem3A = arith.remsi %arg0, %jit3A : i32
      %ne3A_19 = arith.constant 0 : i32
      %ne3A_20 = arith.cmpi ne, %rem3A, %ne3A_19 : i32
      %and3A = arith.andi %ne3A, %ne3A_20 : i1
      %sub3A = arith.constant 1 : i32
      %sub3A_21 = arith.subi %div3A, %sub3A : i32
      %select_n3A = arith.select %and3A, %sub3A_21, %div3A : i32
      %jit3A_22 = arith.constant 3 : i32
      %eq3A_23 = arith.constant 0 : i32
      %eq3A_24 = arith.cmpi eq, %jit3A_22, %eq3A_23 : i32
      %jit3A_25 = arith.constant 1 : i32
      %select_n3A_26 = arith.select %eq3A_24, %jit3A_25, %jit3A_22 : i32
      %rem3A_27 = arith.remsi %arg0, %select_n3A_26 : i32
      %ne3A_28 = arith.constant 0 : i32
      %ne3A_29 = arith.cmpi ne, %rem3A_27, %ne3A_28 : i32
      %lt3A_30 = arith.constant 0 : i32
      %lt3A_31 = arith.cmpi slt, %rem3A_27, %lt3A_30 : i32
      %lt3A_32 = arith.constant 0 : i32
      %lt3A_33 = arith.cmpi slt, %select_n3A_26, %lt3A_32 : i32
      %ne3A_34 = arith.xori %lt3A_31, %lt3A_33 : i1
      %and3A_35 = arith.andi %ne3A_34, %ne3A_29 : i1
      %add3A = arith.addi %rem3A_27, %select_n3A_26 : i32
      %select_n3A_36 = arith.select %and3A_35, %add3A, %rem3A_27 : i32
      %mul3A = arith.constant 64 : i32
      %mul3A_37 = arith.muli %select_n3A_36, %mul3A : i32
      %get3A = arith.index_cast %select_n3A : i32 to index
      %get3A_38 = memref.load %arg1[%get3A] : memref<64xi32, #tpu.memory_space<smem>>
      %lt3A_39 = arith.cmpi slt, %mul3A_37, %get3A_38 : i32
      %convert_element_type3A_40 = arith.extui %lt3A_39 : i1 to i32
      %cond3A_41 = arith.constant 0 : i32
      %cond3A_42 = arith.cmpi ne, %convert_element_type3A_40, %cond3A_41 : i32
      scf.if %cond3A_42 {
        %get3A_43 = arith.constant 0 : index
        %get3A_44 = arith.constant 0 : index
        %get3A_45 = vector.load %arg2[%get3A_43, %get3A_44] : memref<64x768xf32, #tpu.memory_space<vmem>>, vector<64x768xf32>
        %get3A_46 = arith.constant 0 : index
        %get3A_47 = arith.constant 0 : index
        %get3A_48 = arith.constant 0 : index
        %get3A_49 = vector.load %arg3[%get3A_46, %get3A_47, %get3A_48] : memref<1x1024x768xf32, #tpu.memory_space<vmem>>, vector<1x1024x768xf32>
        %get3A_50 = vector.shape_cast %get3A_49 : vector<1x1024x768xf32> to vector<1024x768xf32>
        %dot_general3A = arith.constant dense<0.000000e+00> : vector<64x1024xf32>
        %dot_general3A_51 = tpu.matmul %get3A_45, %get3A_50, %dot_general3A {dimension_numbers = #tpu.dot_dimension_numbers<[1], [1], [0], [0], [0, 0, 1, 0], [], []>, transpose_lhs_hint = false} : vector<64x768xf32>, vector<1024x768xf32>, vector<64x1024xf32> -> vector<64x1024xf32>
        %slice3A = vector.extract_strided_slice %dot_general3A_51 {offsets = [0, 0], sizes = [64, 512], strides = [1, 1]} : vector<64x1024xf32> to vector<64x512xf32>
        %slice3A_52 = vector.extract_strided_slice %dot_general3A_51 {offsets = [0, 512], sizes = [64, 512], strides = [1, 1]} : vector<64x1024xf32> to vector<64x512xf32>
        %logistic3A = arith.negf %slice3A : vector<64x512xf32>
        %logistic3A_53 = math.exp %logistic3A : vector<64x512xf32>
        %logistic3A_54 = arith.constant 1.000000e+00 : f32
        %logistic3A_55 = vector.broadcast %logistic3A_54 : f32 to vector<64x512xf32>
        %logistic3A_56 = arith.addf %logistic3A_55, %logistic3A_53 : vector<64x512xf32>
        %logistic3A_57 = arith.divf %logistic3A_55, %logistic3A_56 : vector<64x512xf32>
        %mul3A_58 = arith.mulf %slice3A, %logistic3A_57 : vector<64x512xf32>
        %mul3A_59 = arith.mulf %mul3A_58, %slice3A_52 : vector<64x512xf32>
        %get3A_60 = arith.constant 0 : index
        %get3A_61 = arith.constant 0 : index
        %get3A_62 = arith.constant 0 : index
        %get3A_63 = vector.load %arg4[%get3A_60, %get3A_61, %get3A_62] : memref<1x768x512xf32, #tpu.memory_space<vmem>>, vector<1x768x512xf32>
        %get3A_64 = vector.shape_cast %get3A_63 : vector<1x768x512xf32> to vector<768x512xf32>
        %dot_general3A_65 = arith.constant dense<0.000000e+00> : vector<64x768xf32>
        %dot_general3A_66 = tpu.matmul %mul3A_59, %get3A_64, %dot_general3A_65 {dimension_numbers = #tpu.dot_dimension_numbers<[1], [1], [0], [0], [0, 0, 1, 0], [], []>, transpose_lhs_hint = false} : vector<64x512xf32>, vector<768x512xf32>, vector<64x768xf32> -> vector<64x768xf32>
        %swap3A = arith.constant 0 : index
        %swap3A_67 = arith.constant 0 : index
        %swap3A_68 = vector.load %arg5[%swap3A, %swap3A_67] : memref<64x768xf32, #tpu.memory_space<vmem>>, vector<64x768xf32>
        tpu.vector_store %arg5[%swap3A, %swap3A_67], %dot_general3A_66 {strides = array<i32>} : memref<64x768xf32, #tpu.memory_space<vmem>>, vector<64x768xf32>,
      } else {
      }
    } else {
    }
    return
  }
  func.func @transform_0(%arg0: i32, %arg1: memref<64xi32, #tpu.memory_space<smem>>) -> (i32, i32) {
    %c0_i32 = arith.constant 0 : i32
    %c0_i32_0 = arith.constant 0 : i32
    return %arg0, %c0_i32 : i32, i32
  }
  func.func @transform_1(%arg0: i32, %arg1: memref<64xi32, #tpu.memory_space<smem>>) -> (i32, i32, i32) {
    %jit3A = arith.constant 3 : i32
    %div3A = arith.divsi %arg0, %jit3A : i32
    %sign3A = arith.constant 0 : i32
    %sign3A_0 = arith.cmpi sgt, %arg0, %sign3A : i32
    %sign3A_1 = arith.extui %sign3A_0 : i1 to i32
    %sign3A_2 = arith.constant 0 : i32
    %sign3A_3 = arith.cmpi slt, %arg0, %sign3A_2 : i32
    %sign3A_4 = arith.extui %sign3A_3 : i1 to i32
    %sign3A_5 = arith.subi %sign3A_1, %sign3A_4 : i32
    %sign3A_6 = arith.constant 0 : i32
    %sign3A_7 = arith.cmpi sgt, %jit3A, %sign3A_6 : i32
    %sign3A_8 = arith.extui %sign3A_7 : i1 to i32
    %sign3A_9 = arith.constant 0 : i32
    %sign3A_10 = arith.cmpi slt, %jit3A, %sign3A_9 : i32
    %sign3A_11 = arith.extui %sign3A_10 : i1 to i32
    %sign3A_12 = arith.subi %sign3A_8, %sign3A_11 : i32
    %ne3A = arith.cmpi ne, %sign3A_5, %sign3A_12 : i32
    %rem3A = arith.remsi %arg0, %jit3A : i32
    %ne3A_13 = arith.constant 0 : i32
    %ne3A_14 = arith.cmpi ne, %rem3A, %ne3A_13 : i32
    %and3A = arith.andi %ne3A, %ne3A_14 : i1
    %sub3A = arith.constant 1 : i32
    %sub3A_15 = arith.subi %div3A, %sub3A : i32
    %select_n3A = arith.select %and3A, %sub3A_15, %div3A : i32
    %min3A = arith.constant 63 : i32
    %min3A_16 = arith.minsi %select_n3A, %min3A : i32
    %c0_i32 = arith.constant 0 : i32
    %c0_i32_17 = arith.constant 0 : i32
    %c0_i32_18 = arith.constant 0 : i32
    return %min3A_16, %c0_i32, %c0_i32_17 : i32, i32, i32
  }
  func.func @transform_2(%arg0: i32, %arg1: memref<64xi32, #tpu.memory_space<smem>>) -> (i32, i32, i32) {
    %jit3A = arith.constant 3 : i32
    %div3A = arith.divsi %arg0, %jit3A : i32
    %sign3A = arith.constant 0 : i32
    %sign3A_0 = arith.cmpi sgt, %arg0, %sign3A : i32
    %sign3A_1 = arith.extui %sign3A_0 : i1 to i32
    %sign3A_2 = arith.constant 0 : i32
    %sign3A_3 = arith.cmpi slt, %arg0, %sign3A_2 : i32
    %sign3A_4 = arith.extui %sign3A_3 : i1 to i32
    %sign3A_5 = arith.subi %sign3A_1, %sign3A_4 : i32
    %sign3A_6 = arith.constant 0 : i32
    %sign3A_7 = arith.cmpi sgt, %jit3A, %sign3A_6 : i32
    %sign3A_8 = arith.extui %sign3A_7 : i1 to i32
    %sign3A_9 = arith.constant 0 : i32
    %sign3A_10 = arith.cmpi slt, %jit3A, %sign3A_9 : i32
    %sign3A_11 = arith.extui %sign3A_10 : i1 to i32
    %sign3A_12 = arith.subi %sign3A_8, %sign3A_11 : i32
    %ne3A = arith.cmpi ne, %sign3A_5, %sign3A_12 : i32
    %rem3A = arith.remsi %arg0, %jit3A : i32
    %ne3A_13 = arith.constant 0 : i32
    %ne3A_14 = arith.cmpi ne, %rem3A, %ne3A_13 : i32
    %and3A = arith.andi %ne3A, %ne3A_14 : i1
    %sub3A = arith.constant 1 : i32
    %sub3A_15 = arith.subi %div3A, %sub3A : i32
    %select_n3A = arith.select %and3A, %sub3A_15, %div3A : i32
    %min3A = arith.constant 63 : i32
    %min3A_16 = arith.minsi %select_n3A, %min3A : i32
    %c0_i32 = arith.constant 0 : i32
    %c0_i32_17 = arith.constant 0 : i32
    %c0_i32_18 = arith.constant 0 : i32
    return %min3A_16, %c0_i32, %c0_i32_17 : i32, i32, i32
  }
  func.func @transform_3(%arg0: i32, %arg1: memref<64xi32, #tpu.memory_space<smem>>) -> (i32, i32) {
    %c0_i32 = arith.constant 0 : i32
    %c0_i32_0 = arith.constant 0 : i32
    return %arg0, %c0_i32 : i32, i32
  }
}

</mosaic_0001>

<sc_bundles>
// kernel: gather_offload_async_start
scs
__scs_entry_jumppad:
0x0: {  	(pc) =	sbr.rel $0x88, $3  }
0x1: {  	(tag) =	ssettag $0x0;
	lr =	simm.s32 $0x1  }
0x2: {  	[smem:$0x3F9C] =	sst lr;
	_ =	strace $0xD0000000  }
0x3: {  	_ = 	snop  }
0x4: {  	_ = 	snop  }
0x5: {  	_ = 	snop  }
0x6: {  	_ = 	snop  }
0x7: {  	_ = 	snop  }
__scs_overlays_trampoline_lowered:
0x8: {  	[smem:$0x3FAB] =	sst s0  }
0x9: {  	[smem:$0x3FAC] =	sst s1  }
0xa: {  	[smem:$0x3FAD] =	sst s2  }
0xb: {  	[smem:$0x3FAE] =	sst s3  }
0xc: {  	[smem:$0x3FAF] =	sst s4  }
0xd: {  	[smem:$0x3FB0] =	sst s5  }
0xe: {  	[smem:$0x3FB1] =	sst s6  }
0xf: {  	[smem:$0x3FB2] =	sst s7  }
0x10: {  	[smem:$0x3FB3] =	sst s8  }
0x11: {  	[smem:$0x3FB4] =	sst s9;
	s0 =	simm.s32 @!p0 $0x0  }
0x12: {  	s1 =	sld [smem:$0x3F9A];
	s0 =	simm.s32 @p0 $0x1  }
0x13: {  	[smem:$0x3FB5] =	sst s0;
	s0 =	simm.s32 @!p1 $0x0  }
0x14: {  	s2 =	sld [smem:$0x3F99];
	s0 =	simm.s32 @p1 $0x1  }
0x15: {  	[smem:$0x3FB6] =	sst s0;
	s0 =	simm.s32 @!p2 $0x0  }
0x16: {  	s3 =	sld [smem:$0x3FDB];
	s0 =	simm.s32 @p2 $0x1  }
0x17: {  	s4 =	simm.s32 $0x1BF5;
	[smem:$0x3FB8] =	sst s0  }
0x18: {  	s0 =	sld [smem:$0x3F9B];
	_ =	swait.ge [sflag:s4], $0x0  }
0x19: {  	s7 =	sld [smem:$0x3F9C]  }
0x1a: {  	s8 =	sadd.s32 $0xFFFFE003, lr  }
0x1b: {  	s9 =	sadd.s32 $0xFFFFFEF7, lr;
	s5 =	simm.s32 $0xFFFFFFFF;
	p2 =	slt.u32 s8, $0xFFFFF086  }
0x1c: {  	p1 =	slt.u32 s9, $0xF7A;
	s5 =	simm.s32 @!p2 $0x0  }
0x1d: {  	s5 =	simm.s32 @p1 $0x1;
	p0 =	seq.s32 s7, s2  }
0x1e: {  	s7 =	smul.u32 @!p0 $0xF7A, s2;
	p2 =	seq.s32 @!p0 s5, $0x0  }
0x1f: {  	s9 =	smul.u32 $0xF7A, s1;
	s8 =	simm.s32 @!p0 $0x1BF5;
	p2 =	por !p2, p0  }
0x20: {  	[sflag:s8] =	ssyncset.s32 @!p0 $0xFFFFF086;
	s6 =	sadd.s32 @!p0 s3, s7;
	s7 =	simm.s32 @!p0 $0x108  }
0x21: {  	s3 =	sadd.s32 s3, s9;
	s6 =	sadd.s32 @!p0 $0x88, s6;
	s7 =	simm.s32 @p2 $0x1082  }
0x22: {  	[simem:s7], [sflag:s8] =	dma.local @!p0 [hbm:s6], $0xF7A  }
0x23: {  	s9 =	sor.u32 $0xD0000000, s2;
	s6 =	simm.s32 $0x108;
	_ =	swait.ge @!p0 [sflag:s8], $0x0  }
0x24: {  	s3 =	sadd.s32 $0x88, s3;
	s6 =	simm.s32 @!p1 $0x1082;
	[sflag:s4] =	ssyncset.s32 $0xFFFFF086  }
0x25: {  	[simem:s6], [sflag:s4] =	dma.local [hbm:s3], $0xF7A  }
0x26: {  	[smem:$0x3F9C] =	sst s1;
	(tag) =	ssettag s2;
	_ =	strace s9  }
0x27: {  	s1 =	sld [smem:$0x3FAC]  }
0x28: {  	s2 =	sld [smem:$0x3FAD]  }
0x29: {  	s4 =	sld [smem:$0x3FAF]  }
0x2a: {  	p0 =	seq.s32 s5, $0x0;
	s5 =	sld [smem:$0x3FB0]  }
0x2b: {  	s6 =	sld [smem:$0x3FB1]  }
0x2c: {  	s7 =	sld [smem:$0x3FB2]  }
0x2d: {  	s3 =	simm.s32 $0x108;
	s8 =	sld [smem:$0x3FB3]  }
0x2e: {  	s3 =	simm.s32 @!p0 $0x1082;
	s9 =	sld [smem:$0x3FB4]  }
0x2f: {  	lr =	sadd.s32 s0, s3;
	s0 =	sld [smem:$0x3FAB]  }
0x30: {  	s3 =	sld [smem:$0x3FAE]  }
0x31: {  	[smem:$0x3FB7] =	sst s10  }
0x32: {  	s10 =	sld [smem:$0x3FB5];
	_ =	sdelay $0x3  }
0x33: {  	p0 =	seq.s32 s10, $0x1;
	s10 =	sld [smem:$0x3FB7];
	_ =	sdelay $0x3  }
0x34: {  	[smem:$0x3FB7] =	sst s10  }
0x35: {  	s10 =	sld [smem:$0x3FB6];
	_ =	sdelay $0x3  }
0x36: {  	p1 =	seq.s32 s10, $0x1;
	s10 =	sld [smem:$0x3FB7];
	_ =	sdelay $0x3  }
0x37: {  	[smem:$0x3FB7] =	sst s10  }
0x38: {  	s10 =	sld [smem:$0x3FB8]  }
0x39: {  	_ = 	snop;
	(pc) =	sbr.ind lr, $3  }
0x3a: {  	_ = 	snop  }
0x3b: {  	_ = 	snop  }
0x3c: {  	p2 =	seq.s32 s10, $0x1;
	s10 =	sld [smem:$0x3FB7]  }
0x3d: {  	_ =	shalt  }
0x3e: {  	_ =	shalt  }
0x3f: {  	_ =	shalt  }
0x40: {  	_ =	shalt  }
0x41: {  	_ =	shalt  }
0x42: {  	_ =	shalt  }
0x43: {  	_ =	shalt  }
0x44: {  	_ =	shalt  }
0x45: {  	_ =	shalt  }
0x46: {  	_ =	shalt  }
0x47: {  	_ =	shalt  }
0x48: {  	_ =	shalt  }
0x49: {  	_ =	shalt  }
0x4a: {  	_ =	shalt  }
0x4b: {  	_ =	shalt  }
0x4c: {  	_ =	shalt  }
0x4d: {  	_ =	shalt  }
0x4e: {  	_ =	shalt  }
0x4f: {  	_ =	shalt  }
0x50: {  	_ =	shalt  }
0x51: {  	_ =	shalt  }
0x52: {  	_ =	shalt  }
0x53: {  	_ =	shalt  }
0x54: {  	_ =	shalt  }
0x55: {  	_ =	shalt  }
0x56: {  	_ =	shalt  }
0x57: {  	_ =	shalt  }
0x58: {  	_ =	shalt  }
0x59: {  	_ =	shalt  }
0x5a: {  	_ =	shalt  }
0x5b: {  	_ =	shalt  }
0x5c: {  	_ =	shalt  }
0x5d: {  	_ =	shalt  }
0x5e: {  	_ =	shalt  }
0x5f: {  	_ =	shalt  }
0x60: {  	_ =	shalt  }
0x61: {  	_ =	shalt  }
0x62: {  	_ =	shalt  }
0x63: {  	_ =	shalt  }
0x64: {  	_ =	shalt  }
0x65: {  	_ =	shalt  }
0x66: {  	_ =	shalt  }
0x67: {  	_ =	shalt  }
0x68: {  	_ =	shalt  }
0x69: {  	_ =	shalt  }
0x6a: {  	_ =	shalt  }
0x6b: {  	_ =	shalt  }
0x6c: {  	_ =	shalt  }
0x6d: {  	_ =	shalt  }
0x6e: {  	_ =	shalt  }
0x6f: {  	_ =	shalt  }
0x70: {  	_ =	shalt  }
0x71: {  	_ =	shalt  }
0x72: {  	_ =	shalt  }
0x73: {  	_ =	shalt  }
0x74: {  	_ =	shalt  }
0x75: {  	_ =	shalt  }
0x76: {  	_ =	shalt  }
0x77: {  	_ =	shalt  }
0x78: {  	_ =	shalt  }
0x79: {  	_ =	shalt  }
0x7a: {  	_ =	shalt  }
0x7b: {  	_ =	shalt  }
0x7c: {  	_ =	shalt  }
0x7d: {  	_ =	shalt  }
0x7e: {  	_ =	shalt  }
0x7f: {  	_ =	shalt  }
0x80: {  	_ =	shalt  }
0x81: {  	_ =	shalt  }
0x82: {  	_ =	shalt  }
0x83: {  	_ =	shalt  }
0x84: {  	_ =	shalt  }
0x85: {  	_ =	shalt  }
0x86: {  	_ =	shalt  }
0x87: {  	_ =	shalt  }
.Lfunc_end0:
.L_simem_size_0:
called_computation_lowered:
.L_overlay_start_0:
0x88: {  	s2 =	sld [smem:$0x3FD9]  }
0x89: {  	s3 =	sld [smem:$0x3FFE];
	_ =	sdelay $0x1  }
0x8a: {  	s1 =	srdreg.scid  }
0x8b: {  	s0 =	sand.u32 $0x1, s1  }
0x8c: {  	s17 =	sshll.u32 s0, $0xA;
	s2 =	sadd.s32 s3, s2  }
0x8d: {  	s2 =	sadd.s32 s2, s17  }
0x8e: {  	[smem:$0x3FC3] =	sst s2  }
0x8f: {  	_ = 	snop  }
0x90: {  	s2 =	sld [smem:$0x3FD0];
	(tm) =	ssettm $0x1  }
0x91: {  	s18 =	sld [smem:$0x3FFB];
	_ =	sdelay $0x3  }
0x92: {  	_ =	strace s18  }
0x93: {  	s3 =	sld [smem:$0x3FFC];
	_ =	sdelay $0x3  }
0x94: {  	_ =	strace s3  }
0x95: {  	s3 =	sld [smem:$0x3FFD];
	_ =	sdelay $0x3  }
0x96: {  	_ =	strace s3  }
0x97: {  	_ =	strace $0x8FFFFFFF  }
0x98: {  	s19 =	sld [smem:$0x3FDB];
	_ =	sdelay $0x1  }
0x99: {  	s4 =	simm.s32 $_scs_section_size  }
0x9a: {  	s5 =	simm.s32 $_size__tile_overlayer_lowered;
	s6 =	simm.s32 $_tile_overlayer_lowered  }
0x9b: {  	s22 =	simm.s32 $0x1BFF;
	s21 =	sshll.u32 s6, $0x1;
	s3 =	sadd.s32 s4, s19  }
0x9c: {  	s7 =	simm.s32 $0x0;
	s20 =	sshll.u32 s5, $0x1;
	s5 =	sadd.s32 s21, s3  }
0x9d: {  	[timem:s7], [sflag:s22] =	dma.local [hbm:s5], s20  }
0x9e: {  	_ =	swait.ge [sflag:s22], s20  }
0x9f: {  	s4 =	ssub.s32 $0x0, s20;
	[sflag:s22] =	ssyncset.done $0x0  }
0xa0: {  	[sflag:s22] =	ssyncadd.s32 s4;
	_ =	sdelay $0x1  }
0xa1: {  	s23 =	simm.s32 $0x1B8B  }
0xa2: {  	_ =	swait.ge [sflag:s23], $0x1  }
0xa3: {  	[sflag:s23] =	ssyncset.done $0x0  }
0xa4: {  	s25 =	simm.s32 $0x1B8E;
	s24 =	sld [smem:$0x3FFE];
	[sflag:s23] =	ssyncadd.s32 $0xFFFFFFFF  }
0xa5: {  	s26 =	simm.s32 $execute0_lowered;
	[smem:$0x3FD2] =	sst s25  }
0xa6: {  	s5 =	sshll.u32 s26, $0x1;
	_ =	strace $0x80000046;
	[dreg:$0x1] =	wrdreg $0xFFFFFFFF  }
0xa7: {  	s28 =	simm.s32 $_size_execute0_lowered;
	s3 =	sadd.s32 s3, s5;
	[dreg:$0x0] =	wrdreg $0x0  }
0xa8: {  	s5 =	sshll.u32 s28, $0x1;
	[dreg:$0x2] =	wrdreg s3  }
0xa9: {  	[dreg:$0x3] =	wrdreg s5  }
0xaa: {  	[dreg:$0x4] =	wrdreg $0xC0  }
0xab: {  	_ =	task [dreg:s7], $0x5FFFF  }
0xac: {  	[dreg:$0x1] =	wrdreg $0xFFFFFFFF  }
0xad: {  	[dreg:$0x0] =	wrdreg $0x60  }
0xae: {  	[dreg:$0x2] =	wrdreg s2  }
0xaf: {  	[dreg:$0x3] =	wrdreg s24  }
0xb0: {  	[dreg:$0x4] =	wrdreg $0x9  }
0xb1: {  	_ =	task.clear_ibuf [dreg:s7], $0x5FFFF;
	_ =	strace $0x90000046  }
0xb2: {  	s29 =	simm.s32 $0x9;
	_ =	strace $0x80000048  }
0xb3: {  	_ =	swait.ge [sflag:s29], $0x1  }
0xb4: {  	[sflag:s29] =	ssyncadd.s32 $0xFFFFFFFF  }
0xb5: {  	_ =	strace $0x90000048  }
0xb6: {  	_ =	sfence  }
0xb7: {  	s30 =	sld [smem:$0x0];
	_ =	sdelay $0x2  }
0xb8: {  	s31 =	sshll.u32 s1, $0xD;
	s1 =	sshrl.u32 s1, $0x2  }
0xb9: {  	s3 =	sand.u32 $0x4000, s31;
	s1 =	sadd.s32 s1, s30  }
0xba: {  	s0 =	sor.u32 s3, s0;
	s1 =	sshll.u32 s1, $0x11  }
0xbb: {  	s0 =	sor.u32 s1, s0  }
0xbc: {  	s0 =	sadd.s32 $0x8F2B, s0  }
0xbd: {  	[sflag:s0] =	ssyncadd.remote.s32 $0x1  }
0xbe: {  	_ =	sfence.sel $0xFFFF  }
0xbf: {  	[dreg:$0x0] =	wrdreg $0xFFFFFFFF;
	(pc) =	sbr.abs _section_cstart, $3  }
0xc0: {  	[dreg:$0x1] =	wrdreg $0xFFFFFFFF  }
0xc1: {  	_ =	task.clear_ibuf [dreg:s7], $0x2FFFF;
	_ =	strace $0x9FFFFFFF  }
0xc2: {  	(tm) =	ssettm $0x7FFFFFFF  }
0xc3: {  	_ =	shalt  }
tec
execute0_lowered:
.L_overlay_start_1:
0x0: {  	(tag) =	ssettag $0x1  }
0x1: {  	s1 =	srdreg.scid;
	s2 =	rddreg [dreg:$0x0]  }
0x2: {  	s0 =	stileid.u32;
	s5 =	rddreg [dreg:$0x1];
	s6 =	simm.s32 $0x1  }
0x3: {  	s9 =	simm.s32 $0x1;
	s10 =	simm.s32 $0x3;
	s1 =	sshll.u32 s1, $0x6  }
0x4: {  	s13 =	simm.s32 $0x0;
	s3 =	sshll.u32 s0, $0x7;
	s4 =	sand.u32 $0x40, s1  }
0x5: {  	s12 =	simm.s32 $0x0;
	s1 =	rddreg [dreg:$0x2];
	s3 =	sor.u32 s3, s4  }
0x6: {  	_ =	strace $0x80000047;
	s4 =	sadd.s32 $0x600, s5;
	s8 =	ssub.s32 $0x1000, s3  }
.Ltmp0:
0x7: {  	s5 =	sadd.s32 $0x800, s5;
	s7 =	sand.u32 $0x7C0, s8;
	(pc) =	sbr.rel .LBB2_1-.Ltmp0, $4  }
0x8: {  	[sflag:s6] =	ssyncpa.u1 $0x0;
	s11 =	smov.u32 s3;
	p0 =	sne.s32 s7, $0x0  }
0x9: {  	s8 =	sshrl.u32 s8, $0xB;
	s7 =	simm.s32 $0x2;
	s9 =	simm.s32 @!p0 $0x0  }
0xa: {  	[sflag:s7] =	ssyncpa.u1 $0x0;
	p0 =	por $0x0, $0x0;
	s8 =	sadd.s32 s9, s8  }
0xb: {  	vm0 =	vmmov $0xffff;
	[sflag:s10] =	ssyncpa.u1 $0x0;
	s10 =	simm.s32 $0x0;
	s9 =	sadd.s32 $0x1, s8  }
.LBB2_4:
0xc: {  	vm1 =	veq.s32 v0, $0x80000000;
	v63 =	vand.u32 $0xFFF, v0;
	v2 =	vand.u32 $0x3F, v2  }
0xd: {  	v0 =	vsel vm1, $0xFFFFFFFF, v63;
	v2 =	vsel vm1, $0xFFFFFFFF, v2  }
0xe: {  	v3 =	vshll.u32 v2, $0xC;
	v4 =	vshll.u32 v0, $0x3  }
0xf: {  	v2 =	vshll.u32 v2, $0x7;
	v3 =	vand.u32 $0xFFFF8000, v3;
	v4 =	vand.u32 $0xFFFFFC00, v4  }
0x10: {  	v2 =	vand.u32 $0x380, v2;
	v3 =	vadd.s32 v4, v3  }
0x11: {  	v0 =	vand.u32 $0x7F, v0;
	v2 =	vor.u32 v2, v3  }
0x12: {  	v0 =	vor.u32 v0, v2;
	_ =	sdelay $0x1  }
0x13: {  	(ifvalue) =	ssetifvalue $0x7FFFFFFF;
	s14 =	sadd.s32 $0x10, s14  }
0x14: {  	[tilespmem:s14], [sflag:$0x1] =	stream.indirect_vreg.gather [hbm4b:s2+s10], $0x1, v1, vm0, $0x4038;
	[tilespmem:$0x100] =	vst v63  }
0x15: {  	(ifvalue) =	ssetifvalue $0x7FFFFFFF;
	s14 =	sadd.s32 $0x10, s14  }
0x16: {  	[tilespmem:s14], [sflag:$0x1] =	stream.indirect_vreg.gather [hbm4b:s2+s10], $0x1, v0, vm0, $0x4038;
	[tilespmem:$0x100] =	vst v63  }
0x17: {  	_ =	swait.ge [sflag:s6], $0x40  }
0x18: {  	s30 =	sshrl.u32 s13, $0x3;
	[sflag:s6] =	ssyncset.done $0x0  }
0x19: {  	s31 =	sand.u32 $0x7, s13;
	s14 =	sadd.s32 s5, s30;
	[sflag:s6] =	ssyncadd.s32 $0xFFFFFFC0  }
0x1a: {  	[hbm4b:s14+s31] =	stream.linear.scatter [tilespmem:s15], [sflag:$0x3], $0x40, $0x38;
	[tilespmem:$0x100] =	vst v63  }
.LBB2_5:
0x1b: {  	s15 =	sadd.s32 $0x800, s11  }
0x1c: {  	p2 =	sgt.s32 s15, $0xFFF  }
0x1d: {  	s15 =	smov.u32 @p2 s3;
	p2 =	sne.s32 s12, s9  }
.Ltmp1:
0x1e: {  	p1 =	slt.u32 s12, $0x2;
	(pc) =	sbr.rel @!p2 .LBB2_6-.Ltmp1, $4  }
0x1f: {  	s14 =	simm.s32 @!p1 $0x3  }
0x20: {  	s16 =	sadd.s32 $0x1, s12;
	_ =	swait.ge @!p1 [sflag:s14], $0x40  }
0x21: {  	s13 =	smov.u32 s11;
	p0 =	por !p0, !p0;
	[sflag:s14] =	ssyncset.done @!p1 $0x0  }
0x22: {  	s12 =	smov.u32 s16;
	s11 =	smov.u32 s15;
	[sflag:s14] =	ssyncadd.s32 @!p1 $0xFFFFFFC0  }
.LBB2_1:
0x23: {  	p1 =	sge.u32 s12, s8  }
0x24: {  	s14 =	sxor.u32 @!p1 $0xFFFFFFFF, s12  }
0x25: {  	s31 =	sadd.s32 $0xFFFFFFFF, s12;
	s15 =	sshrl.u32 @!p1 s11, $0x3;
	s14 =	sshll.u32 @!p1 s14, $0x6  }
0x26: {  	s16 =	sand.u32 @!p1 $0x7, s11;
	s15 =	sadd.s32 @!p1 s4, s15;
	s14 =	sand.u32 @!p1 $0x40, s14  }
0x27: {  	[tilespmem:s14], [sflag:$0x2] =	stream.linear.gather @!p1 [hbm4b:s15+s16], $0x40, $0x38;
	[tilespmem:$0x100] =	vst v63  }
0x28: {  	p1 =	sge.u32 s31, s8  }
.Ltmp2:
0x29: {  	_ = 	snop;
	(pc) =	sbr.rel @p1 .LBB2_5-.Ltmp2, $1  }
0x2a: {  	_ =	sdelay $0x3  }
0x2b: {  	s14 =	simm.s32 $0x1  }
0x2c: {  	_ =	swait.ge [sflag:s7], $0x40;
	s14 =	simm.s32 @!p0 $0x0  }
0x2d: {  	[sflag:s7] =	ssyncset.done $0x0;
	s14 =	sshll.u32 s14, $0x6  }
0x2e: {  	[sflag:s7] =	ssyncadd.s32 $0xFFFFFFC0;
	(ifvalue) =	ssetifvalue $0x7FFFFFFF;
	v0 =	vld.msk [tilespmem:s14+$0x0 ss:$0x1], $0xffff;
	_ =	sdelay $0x4  }
0x2f: {  	s15 =	sadd.s32 $0x10, s14;
	v1 =	vshrl.u32 v0, $0xC  }
0x30: {  	v2 =	vld.msk [tilespmem:s15+$0x0 ss:$0x1], $0xffff;
	vm1 =	veq.s32 v0, $0x80000000;
	v0 =	vand.u32 $0xFFF, v0;
	v1 =	vand.u32 $0x3F, v1  }
0x31: {  	v0 =	vsel vm1, $0xFFFFFFFF, v0;
	v1 =	vsel vm1, $0xFFFFFFFF, v1  }
0x32: {  	v4 =	vshll.u32 v0, $0x3;
	v3 =	vshll.u32 v1, $0xC  }
0x33: {  	v4 =	vand.u32 $0xFFFFFC00, v4;
	v1 =	vshll.u32 v1, $0x7;
	v3 =	vand.u32 $0xFFFF8000, v3  }
0x34: {  	v0 =	vand.u32 $0x7F, v0;
	v1 =	vand.u32 $0x380, v1;
	v3 =	vadd.s32 v4, v3  }
0x35: {  	vm1 =	veq.s32 v2, $0x80000000;
	v1 =	vor.u32 v1, v3;
	v3 =	vshrl.u32 v2, $0xC  }
0x36: {  	s17 =	sadd.s32 $0x10, s15;
	v2 =	vand.u32 $0xFFF, v2;
	v1 =	vor.u32 v0, v1;
	v3 =	vand.u32 $0x3F, v3  }
0x37: {  	v0 =	vld.msk [tilespmem:s17+$0x0 ss:$0x1], $0xffff;
	v2 =	vsel vm1, $0xFFFFFFFF, v2;
	v3 =	vsel vm1, $0xFFFFFFFF, v3  }
0x38: {  	v5 =	vshll.u32 v2, $0x3;
	v63 =	vshll.u32 v3, $0xC  }
0x39: {  	s31 =	sshll.u32 s12, $0x6;
	v5 =	vand.u32 $0xFFFFFC00, v5;
	v3 =	vshll.u32 v3, $0x7;
	v4 =	vand.u32 $0xFFFF8000, v63  }
0x3a: {  	s14 =	sor.u32 $0x80, s14;
	s15 =	sand.u32 $0x40, s31;
	(ifvalue) =	ssetifvalue $0x7FFFFFFF;
	v3 =	vand.u32 $0x380, v3;
	v4 =	vadd.s32 v5, v4  }
0x3b: {  	[tilespmem:s14], [sflag:$0x1] =	stream.indirect_vreg.gather [hbm4b:s2+s10], $0x1, v1, vm0, $0x4038;
	v1 =	vand.u32 $0x7F, v2;
	v3 =	vor.u32 v3, v4;
	[tilespmem:$0x100] =	vst v63  }
0x3c: {  	s16 =	simm.s32 $0x20;
	s15 =	sor.u32 $0x80, s15;
	s17 =	sadd.s32 $0x10, s17;
	v2 =	vshrl.u32 v0, $0xC;
	v1 =	vor.u32 v1, v3  }
.LBB2_3:
0x3d: {  	s16 =	sadd.s32 $0x10, s16;
	vm1 =	veq.s32 v0, $0x80000000;
	v3 =	vand.u32 $0xFFF, v0;
	v0 =	vld.msk [tilespmem:s17+$0x0 ss:$0x1], $0xffff;
	v2 =	vand.u32 $0x3F, v2  }
0x3e: {  	p1 =	slt.u32 s16, $0x30;
	v3 =	vsel vm1, $0xFFFFFFFF, v3;
	v2 =	vsel vm1, $0xFFFFFFFF, v2  }
.Ltmp3:
0x3f: {  	v4 =	vshll.u32 v2, $0xC;
	v5 =	vshll.u32 v3, $0x3;
	(pc) =	sbr.rel @p1 .LBB2_3-.Ltmp3, $4  }
0x40: {  	s14 =	sadd.s32 $0x10, s14;
	v2 =	vshll.u32 v2, $0x7;
	v4 =	vand.u32 $0xFFFF8000, v4;
	v5 =	vand.u32 $0xFFFFFC00, v5;
	(ifvalue) =	ssetifvalue $0x7FFFFFFF  }
0x41: {  	v2 =	vand.u32 $0x380, v2;
	v4 =	vadd.s32 v5, v4;
	[tilespmem:s14], [sflag:$0x1] =	stream.indirect_vreg.gather [hbm4b:s2+s10], $0x1, v1, vm0, $0x4038;
	[tilespmem:$0x100] =	vst v63  }
0x42: {  	v1 =	vand.u32 $0x7F, v3;
	v3 =	vor.u32 v2, v4  }
0x43: {  	s17 =	sadd.s32 $0x10, s17;
	v2 =	vshrl.u32 v0, $0xC;
	v1 =	vor.u32 v1, v3  }
.Ltmp4:
0x44: {  	_ = 	snop;
	(pc) =	sbr.rel .LBB2_4-.Ltmp4, $1  }
0x45: {  	_ =	sdelay $0x3  }
.LBB2_6:
0x46: {  	_ =	sfence.sel $0x180000  }
0x47: {  	s2 =	simm.s32 $0x2;
	[bflag:$0x0] =	sbarrier.arrive $0xFFFF  }
0x48: {  	s30 =	simm.s32 $0x3;
	[sflag:s2] =	ssyncpa.u1 $0x1  }
0x49: {  	s31 =	simm.s32 $0x1;
	[sflag:s30] =	ssyncpa.u1 $0x1  }
0x4a: {  	[sflag:s31] =	ssyncpa.u1 $0x1  }
0x4b: {  	p0 =	sne.s32 s0, $0x0;
	_ =	strace $0x90000047  }
0x4c: {  	s0 =	sadd.s32 @!p0 $0x100000, s1;
	[bflag:$0x2] =	sbarrier.arrive $0xFFFF  }
0x4d: {  	[sflag:s0] =	ssyncadd.tile.s32 @!p0 $0x1;
	_ =	shalt  }
.Lfunc_end2:
_tile_overlayer_lowered:
.L_overlay_start_2:
0x4e: {  	(tag) =	ssettag $0x2  }
0x4f: {  	s0 =	rddreg [dreg:$0x0];
	s2 =	stileid.u32  }
0x50: {  	s1 =	rddreg [dreg:$0x1];
	p0 =	sne.s32 s2, $0x0  }
0x51: {  	s3 =	rddreg [dreg:$0x2];
	[bflag:$0x3] =	sbarrier.arrive $0xFFFF;
	s2 =	simm.s32 @!p0 $0x1C01  }
0x52: {  	[timem:s3], [sflag:s2] =	dma.local @!p0 [hbm:s0], s1  }
0x53: {  	s0 =	simm.s32 @!p0 $0x1  }
0x54: {  	_ =	swait.ge @!p0 [sflag:s0], s1  }
0x55: {  	s1 =	ssub.s32 @!p0 $0x0, s1;
	[sflag:s0] =	ssyncset.done @!p0 $0x0  }
0x56: {  	[sflag:s0] =	ssyncadd.s32 @!p0 s1  }
0x57: {  	[bflag:$0x3] =	sbarrier.arrive $0xFFFF  }
0x58: {  	_ =	shalt  }

// kernel: kernel.5.cloned.1.call-start
scs
__scs_entry_jumppad:
0x0: {  	(pc) =	sbr.rel $0x88, $3  }
0x1: {  	(tag) =	ssettag $0x0;
	lr =	simm.s32 $0x1  }
0x2: {  	[smem:$0x3F9C] =	sst lr;
	_ =	strace $0xD0000000  }
0x3: {  	_ = 	snop  }
0x4: {  	_ = 	snop  }
0x5: {  	_ = 	snop  }
0x6: {  	_ = 	snop  }
0x7: {  	_ = 	snop  }
__scs_overlays_trampoline_lowered:
0x8: {  	[smem:$0x3FAB] =	sst s0  }
0x9: {  	[smem:$0x3FAC] =	sst s1  }
0xa: {  	[smem:$0x3FAD] =	sst s2  }
0xb: {  	[smem:$0x3FAE] =	sst s3  }
0xc: {  	[smem:$0x3FAF] =	sst s4  }
0xd: {  	[smem:$0x3FB0] =	sst s5  }
0xe: {  	[smem:$0x3FB1] =	sst s6  }
0xf: {  	[smem:$0x3FB2] =	sst s7  }
0x10: {  	[smem:$0x3FB3] =	sst s8  }
0x11: {  	[smem:$0x3FB4] =	sst s9;
	s0 =	simm.s32 @!p0 $0x0  }
0x12: {  	s1 =	sld [smem:$0x3F9A];
	s0 =	simm.s32 @p0 $0x1  }
0x13: {  	[smem:$0x3FB5] =	sst s0;
	s0 =	simm.s32 @!p1 $0x0  }
0x14: {  	s2 =	sld [smem:$0x3F99];
	s0 =	simm.s32 @p1 $0x1  }
0x15: {  	[smem:$0x3FB6] =	sst s0;
	s0 =	simm.s32 @!p2 $0x0  }
0x16: {  	s3 =	sld [smem:$0x3FDB];
	s0 =	simm.s32 @p2 $0x1  }
0x17: {  	s4 =	simm.s32 $0x1BF5;
	[smem:$0x3FB8] =	sst s0  }
0x18: {  	s0 =	sld [smem:$0x3F9B];
	_ =	swait.ge [sflag:s4], $0x0  }
0x19: {  	s7 =	sld [smem:$0x3F9C]  }
0x1a: {  	s8 =	sadd.s32 $0xFFFFE003, lr  }
0x1b: {  	s9 =	sadd.s32 $0xFFFFFEF7, lr;
	s5 =	simm.s32 $0xFFFFFFFF;
	p2 =	slt.u32 s8, $0xFFFFF086  }
0x1c: {  	p1 =	slt.u32 s9, $0xF7A;
	s5 =	simm.s32 @!p2 $0x0  }
0x1d: {  	s5 =	simm.s32 @p1 $0x1;
	p0 =	seq.s32 s7, s2  }
0x1e: {  	s7 =	smul.u32 @!p0 $0xF7A, s2;
	p2 =	seq.s32 @!p0 s5, $0x0  }
0x1f: {  	s9 =	smul.u32 $0xF7A, s1;
	s8 =	simm.s32 @!p0 $0x1BF5;
	p2 =	por !p2, p0  }
0x20: {  	[sflag:s8] =	ssyncset.s32 @!p0 $0xFFFFF086;
	s6 =	sadd.s32 @!p0 s3, s7;
	s7 =	simm.s32 @!p0 $0x108  }
0x21: {  	s3 =	sadd.s32 s3, s9;
	s6 =	sadd.s32 @!p0 $0x88, s6;
	s7 =	simm.s32 @p2 $0x1082  }
0x22: {  	[simem:s7], [sflag:s8] =	dma.local @!p0 [hbm:s6], $0xF7A  }
0x23: {  	s9 =	sor.u32 $0xD0000000, s2;
	s6 =	simm.s32 $0x108;
	_ =	swait.ge @!p0 [sflag:s8], $0x0  }
0x24: {  	s3 =	sadd.s32 $0x88, s3;
	s6 =	simm.s32 @!p1 $0x1082;
	[sflag:s4] =	ssyncset.s32 $0xFFFFF086  }
0x25: {  	[simem:s6], [sflag:s4] =	dma.local [hbm:s3], $0xF7A  }
0x26: {  	[smem:$0x3F9C] =	sst s1;
	(tag) =	ssettag s2;
	_ =	strace s9  }
0x27: {  	s1 =	sld [smem:$0x3FAC]  }
0x28: {  	s2 =	sld [smem:$0x3FAD]  }
0x29: {  	s4 =	sld [smem:$0x3FAF]  }
0x2a: {  	p0 =	seq.s32 s5, $0x0;
	s5 =	sld [smem:$0x3FB0]  }
0x2b: {  	s6 =	sld [smem:$0x3FB1]  }
0x2c: {  	s7 =	sld [smem:$0x3FB2]  }
0x2d: {  	s3 =	simm.s32 $0x108;
	s8 =	sld [smem:$0x3FB3]  }
0x2e: {  	s3 =	simm.s32 @!p0 $0x1082;
	s9 =	sld [smem:$0x3FB4]  }
0x2f: {  	lr =	sadd.s32 s0, s3;
	s0 =	sld [smem:$0x3FAB]  }
0x30: {  	s3 =	sld [smem:$0x3FAE]  }
0x31: {  	[smem:$0x3FB7] =	sst s10  }
0x32: {  	s10 =	sld [smem:$0x3FB5];
	_ =	sdelay $0x3  }
0x33: {  	p0 =	seq.s32 s10, $0x1;
	s10 =	sld [smem:$0x3FB7];
	_ =	sdelay $0x3  }
0x34: {  	[smem:$0x3FB7] =	sst s10  }
0x35: {  	s10 =	sld [smem:$0x3FB6];
	_ =	sdelay $0x3  }
0x36: {  	p1 =	seq.s32 s10, $0x1;
	s10 =	sld [smem:$0x3FB7];
	_ =	sdelay $0x3  }
0x37: {  	[smem:$0x3FB7] =	sst s10  }
0x38: {  	s10 =	sld [smem:$0x3FB8]  }
0x39: {  	_ = 	snop;
	(pc) =	sbr.ind lr, $3  }
0x3a: {  	_ = 	snop  }
0x3b: {  	_ = 	snop  }
0x3c: {  	p2 =	seq.s32 s10, $0x1;
	s10 =	sld [smem:$0x3FB7]  }
0x3d: {  	_ =	shalt  }
0x3e: {  	_ =	shalt  }
0x3f: {  	_ =	shalt  }
0x40: {  	_ =	shalt  }
0x41: {  	_ =	shalt  }
0x42: {  	_ =	shalt  }
0x43: {  	_ =	shalt  }
0x44: {  	_ =	shalt  }
0x45: {  	_ =	shalt  }
0x46: {  	_ =	shalt  }
0x47: {  	_ =	shalt  }
0x48: {  	_ =	shalt  }
0x49: {  	_ =	shalt  }
0x4a: {  	_ =	shalt  }
0x4b: {  	_ =	shalt  }
0x4c: {  	_ =	shalt  }
0x4d: {  	_ =	shalt  }
0x4e: {  	_ =	shalt  }
0x4f: {  	_ =	shalt  }
0x50: {  	_ =	shalt  }
0x51: {  	_ =	shalt  }
0x52: {  	_ =	shalt  }
0x53: {  	_ =	shalt  }
0x54: {  	_ =	shalt  }
0x55: {  	_ =	shalt  }
0x56: {  	_ =	shalt  }
0x57: {  	_ =	shalt  }
0x58: {  	_ =	shalt  }
0x59: {  	_ =	shalt  }
0x5a: {  	_ =	shalt  }
0x5b: {  	_ =	shalt  }
0x5c: {  	_ =	shalt  }
0x5d: {  	_ =	shalt  }
0x5e: {  	_ =	shalt  }
0x5f: {  	_ =	shalt  }
0x60: {  	_ =	shalt  }
0x61: {  	_ =	shalt  }
0x62: {  	_ =	shalt  }
0x63: {  	_ =	shalt  }
0x64: {  	_ =	shalt  }
0x65: {  	_ =	shalt  }
0x66: {  	_ =	shalt  }
0x67: {  	_ =	shalt  }
0x68: {  	_ =	shalt  }
0x69: {  	_ =	shalt  }
0x6a: {  	_ =	shalt  }
0x6b: {  	_ =	shalt  }
0x6c: {  	_ =	shalt  }
0x6d: {  	_ =	shalt  }
0x6e: {  	_ =	shalt  }
0x6f: {  	_ =	shalt  }
0x70: {  	_ =	shalt  }
0x71: {  	_ =	shalt  }
0x72: {  	_ =	shalt  }
0x73: {  	_ =	shalt  }
0x74: {  	_ =	shalt  }
0x75: {  	_ =	shalt  }
0x76: {  	_ =	shalt  }
0x77: {  	_ =	shalt  }
0x78: {  	_ =	shalt  }
0x79: {  	_ =	shalt  }
0x7a: {  	_ =	shalt  }
0x7b: {  	_ =	shalt  }
0x7c: {  	_ =	shalt  }
0x7d: {  	_ =	shalt  }
0x7e: {  	_ =	shalt  }
0x7f: {  	_ =	shalt  }
0x80: {  	_ =	shalt  }
0x81: {  	_ =	shalt  }
0x82: {  	_ =	shalt  }
0x83: {  	_ =	shalt  }
0x84: {  	_ =	shalt  }
0x85: {  	_ =	shalt  }
0x86: {  	_ =	shalt  }
0x87: {  	_ =	shalt  }
.Lfunc_end0:
.L_simem_size_0:
called_computation.1_lowered:
.L_overlay_start_0:
0x88: {  	s2 =	sld [smem:$0x3FD9]  }
0x89: {  	s3 =	sld [smem:$0x3FFE];
	_ =	sdelay $0x1  }
0x8a: {  	s1 =	srdreg.scid  }
0x8b: {  	s0 =	sand.u32 $0x1, s1  }
0x8c: {  	s17 =	sshll.u32 s0, $0xA;
	s2 =	sadd.s32 s3, s2  }
0x8d: {  	s2 =	sadd.s32 s2, s17  }
0x8e: {  	[smem:$0x3FC3] =	sst s2  }
0x8f: {  	_ = 	snop  }
0x90: {  	s2 =	sld [smem:$0x3FC9]  }
0x91: {  	s18 =	sld [smem:$0x3FD0];
	(tm) =	ssettm $0x1  }
0x92: {  	s4 =	sld [smem:$0x3FFB];
	_ =	sdelay $0x3  }
0x93: {  	_ =	strace s4  }
0x94: {  	s4 =	sld [smem:$0x3FFC];
	_ =	sdelay $0x3  }
0x95: {  	_ =	strace s4  }
0x96: {  	s4 =	sld [smem:$0x3FFD];
	_ =	sdelay $0x3  }
0x97: {  	_ =	strace s4  }
0x98: {  	_ =	strace $0x8FFFFFFF  }
0x99: {  	s19 =	sld [smem:$0x3FDB];
	_ =	sdelay $0x1  }
0x9a: {  	s5 =	simm.s32 $_scs_section_size  }
0x9b: {  	s6 =	simm.s32 $_size__tile_overlayer_lowered;
	s7 =	simm.s32 $_tile_overlayer_lowered  }
0x9c: {  	s22 =	simm.s32 $0x1BFF;
	s21 =	sshll.u32 s7, $0x1;
	s4 =	sadd.s32 s5, s19  }
0x9d: {  	s8 =	simm.s32 $0x0;
	s20 =	sshll.u32 s6, $0x1;
	s6 =	sadd.s32 s21, s4  }
0x9e: {  	[timem:s8], [sflag:s22] =	dma.local [hbm:s6], s20  }
0x9f: {  	_ =	swait.ge [sflag:s22], s20  }
0xa0: {  	s5 =	ssub.s32 $0x0, s20;
	[sflag:s22] =	ssyncset.done $0x0  }
0xa1: {  	[sflag:s22] =	ssyncadd.s32 s5;
	_ =	sdelay $0x1  }
0xa2: {  	s23 =	simm.s32 $0x1B8B  }
0xa3: {  	_ =	swait.ge [sflag:s23], $0x1  }
0xa4: {  	[sflag:s23] =	ssyncset.done $0x0  }
0xa5: {  	s25 =	simm.s32 $0x1B8E;
	s24 =	sld [smem:$0x3FFE];
	[sflag:s23] =	ssyncadd.s32 $0xFFFFFFFF  }
0xa6: {  	s26 =	simm.s32 $execute0_lowered;
	[smem:$0x3FD2] =	sst s25  }
0xa7: {  	s6 =	sshll.u32 s26, $0x1;
	_ =	strace $0x80000049;
	[dreg:$0x1] =	wrdreg $0xFFFFFFFF  }
0xa8: {  	s28 =	simm.s32 $_size_execute0_lowered;
	s4 =	sadd.s32 s4, s6;
	[dreg:$0x0] =	wrdreg $0x0  }
0xa9: {  	s6 =	sshll.u32 s28, $0x1;
	[dreg:$0x2] =	wrdreg s4  }
0xaa: {  	[dreg:$0x3] =	wrdreg s6  }
0xab: {  	[dreg:$0x4] =	wrdreg $0xC0  }
0xac: {  	_ =	task [dreg:s8], $0x5FFFF  }
0xad: {  	[dreg:$0x1] =	wrdreg $0xFFFFFFFF  }
0xae: {  	[dreg:$0x0] =	wrdreg $0x60  }
0xaf: {  	[dreg:$0x2] =	wrdreg s2  }
0xb0: {  	[dreg:$0x3] =	wrdreg s18  }
0xb1: {  	[dreg:$0x4] =	wrdreg s24  }
0xb2: {  	[dreg:$0x5] =	wrdreg $0x9  }
0xb3: {  	_ =	task.clear_ibuf [dreg:s8], $0x6FFFF;
	_ =	strace $0x90000049  }
0xb4: {  	s29 =	simm.s32 $0x9;
	_ =	strace $0x8000004B  }
0xb5: {  	_ =	swait.ge [sflag:s29], $0x1  }
0xb6: {  	[sflag:s29] =	ssyncadd.s32 $0xFFFFFFFF  }
0xb7: {  	_ =	strace $0x9000004B  }
0xb8: {  	_ =	sfence  }
0xb9: {  	s30 =	sld [smem:$0x0];
	_ =	sdelay $0x2  }
0xba: {  	s31 =	sshll.u32 s1, $0xD;
	s1 =	sshrl.u32 s1, $0x2  }
0xbb: {  	s3 =	sand.u32 $0x4000, s31;
	s1 =	sadd.s32 s1, s30  }
0xbc: {  	s0 =	sor.u32 s3, s0;
	s1 =	sshll.u32 s1, $0x11  }
0xbd: {  	s0 =	sor.u32 s1, s0  }
0xbe: {  	s0 =	sadd.s32 $0x8F2B, s0  }
0xbf: {  	[sflag:s0] =	ssyncadd.remote.s32 $0x1  }
0xc0: {  	_ =	sfence.sel $0xFFFF  }
0xc1: {  	[dreg:$0x0] =	wrdreg $0xFFFFFFFF;
	(pc) =	sbr.abs _section_cstart, $3  }
0xc2: {  	[dreg:$0x1] =	wrdreg $0xFFFFFFFF  }
0xc3: {  	_ =	task.clear_ibuf [dreg:s8], $0x2FFFF;
	_ =	strace $0x9FFFFFFF  }
0xc4: {  	(tm) =	ssettm $0x7FFFFFFF  }
0xc5: {  	_ =	shalt  }
tec
execute0_lowered:
.L_overlay_start_1:
0x0: {  	(tag) =	ssettag $0x1  }
0x1: {  	s1 =	rddreg [dreg:$0x0]  }
0x2: {  	s0 =	rddreg [dreg:$0x1]  }
0x3: {  	s2 =	rddreg [dreg:$0x2];
	s4 =	srdreg.scid;
	s3 =	simm.s32 $0x0  }
0x4: {  	s5 =	stileid.u32;
	s26 =	simm.s32 $0x80;
	s15 =	simm.s32 $0x1  }
0x5: {  	s18 =	simm.s32 $0x1100;
	s19 =	simm.s32 $0x1900;
	s20 =	simm.s32 $0x2100  }
0x6: {  	s21 =	simm.s32 $0x2900;
	s22 =	simm.s32 $0x3100;
	s23 =	simm.s32 $0x3900  }
0x7: {  	s28 =	simm.s32 $0x5900;
	s29 =	simm.s32 $0x6100;
	s30 =	simm.s32 $0x6900  }
0x8: {  	s31 =	simm.s32 $0x7100;
	s11 =	simm.s32 $0x8900;
	s12 =	simm.s32 $0x9100  }
0x9: {  	s13 =	simm.s32 $0x9900;
	s14 =	simm.s32 $0xA100;
	s10 =	simm.s32 $0xA900  }
0xa: {  	s4 =	sand.u32 $0x1, s4;
	[smem:$0x7FF] =	sst s3;
	s5 =	sshll.u32 s5, $0x5  }
0xb: {  	s8 =	sadd.s32 $0xC00, s2;
	s6 =	sshll.u32 s4, $0x4;
	_ =	strace $0x8000004A  }
0xc: {  	s7 =	ssub.s32 $0x2, s4;
	s4 =	sadd.s32 $0xA00, s2;
	[dreg:$0x6] =	wrdreg s26  }
0xd: {  	s26 =	simm.s32 $0x5100;
	s5 =	sor.u32 s6, s5;
	s24 =	sshrl.u32 s7, $0x1  }
0xe: {  	s6 =	sadd.s32 s5, s2;
	s0 =	sadd.s32 s0, s5;
	s9 =	ssub.s32 s7, s24  }
0xf: {  	v2 =	vlaneseq.u32;
	s5 =	sadd.s32 $0x100, s1;
	s7 =	sadd.s32 $0xB00, s2;
	s24 =	simm.s32 $0x4100  }
0x10: {  	vm0 =	vmmov $0xffff;
	v1 =	vshrl.u32 v2, $0x3;
	[dreg:$0x4] =	wrdreg s0;
	s25 =	sadd.s32 $0x600, s6;
	s6 =	sadd.s32 $0x200, s1  }
0x11: {  	v0 =	vand.u32 $0x7, v2;
	v2 =	vor.u32 $0x8, v2;
	v1 =	vmul.u32 $0x8, v1;
	s9 =	smax.u32 s9, $0x1;
	[dreg:$0x5] =	wrdreg s25;
	s25 =	simm.s32 $0x4900  }
.LBB2_1:
0x12: {  	s16 =	rddreg [dreg:$0x4];
	s0 =	simm.s32 $0x2  }
0x13: {  	[tilespmem:s3], [sflag:$0x2] =	stream.linear.gather [hbm4b:s16+s3], $0x80, $0x38;
	[tilespmem:$0x18100] =	vst v63  }
0x14: {  	_ =	swait.ge [sflag:s0], $0x80  }
0x15: {  	s2 =	rddreg [dreg:$0x5];
	[sflag:s0] =	ssyncset.done $0x0  }
0x16: {  	s17 =	rddreg [dreg:$0x6];
	[sflag:s0] =	ssyncadd.s32 $0xFFFFFF80  }
0x17: {  	[tilespmem:s17], [sflag:$0x2] =	stream.linear.gather [hbm4b:s2+s3], $0x80, $0x38;
	[tilespmem:$0x18100] =	vst v63  }
0x18: {  	_ =	swait.ge [sflag:s0], $0x80  }
0x19: {  	[sflag:s0] =	ssyncset.done $0x0  }
0x1a: {  	[sflag:s0] =	ssyncadd.s32 $0xFFFFFF80  }
0x1b: {  	v3 =	vld [tilespmem:$0x0];
	_ =	sdelay $0x4  }
0x1c: {  	v4 =	vshrl.u32 v3, $0x3  }
0x1d: {  	v4 =	vmul.u32 $0x30, v4  }
0x1e: {  	v3 =	vand.u32 $0x7, v3  }
0x1f: {  	v3 =	vor.u32 v3, v4  }
0x20: {  	v4 =	vperm.xlane v3, v0;
	_ =	sdelay $0x1  }
0x21: {  	v4 =	vadd.s32 v1, v4;
	_ =	sdelay $0x3  }
0x22: {  	s16 =	simm.s32 $0x100;
	v3 =	vperm.xlane v3, v2  }
0x23: {  	[tilespmem:s16], [sflag:$0x1] =	stream.indirect_vreg.gather [hbm4b:s1+s3], $0x80, v4, vm0, $0xb8;
	[tilespmem:$0x18100] =	vst v63  }
0x24: {  	s17 =	simm.s32 $0x900;
	v3 =	vadd.s32 v1, v3  }
0x25: {  	[tilespmem:s17], [sflag:$0x1] =	stream.indirect_vreg.gather [hbm4b:s5+s3], $0x80, v4, vm0, $0xb8;
	[tilespmem:$0x18100] =	vst v63  }
0x26: {  	_ = 	snop  }
0x27: {  	[tilespmem:s18], [sflag:$0x1] =	stream.indirect_vreg.gather [hbm4b:s6+s3], $0x80, v4, vm0, $0xb8;
	[tilespmem:$0x18100] =	vst v63  }
0x28: {  	_ = 	snop  }
0x29: {  	[tilespmem:s19], [sflag:$0x1] =	stream.indirect_vreg.gather [hbm4b:s1+s3], $0x80, v3, vm0, $0xb8;
	[tilespmem:$0x18100] =	vst v63  }
0x2a: {  	_ = 	snop  }
0x2b: {  	[tilespmem:s20], [sflag:$0x1] =	stream.indirect_vreg.gather [hbm4b:s5+s3], $0x80, v3, vm0, $0xb8;
	[tilespmem:$0x18100] =	vst v63  }
0x2c: {  	_ = 	snop  }
0x2d: {  	[tilespmem:s21], [sflag:$0x1] =	stream.indirect_vreg.gather [hbm4b:s6+s3], $0x80, v3, vm0, $0xb8;
	[tilespmem:$0x18100] =	vst v63  }
0x2e: {  	v3 =	vld [tilespmem:$0x10];
	_ =	sdelay $0x4  }
0x2f: {  	v49 =	vshrl.u32 v3, $0x3  }
0x30: {  	v4 =	vmul.u32 $0x30, v49  }
0x31: {  	v3 =	vand.u32 $0x7, v3  }
0x32: {  	v3 =	vor.u32 v3, v4  }
0x33: {  	v4 =	vperm.xlane v3, v0;
	_ =	sdelay $0x1  }
0x34: {  	v4 =	vadd.s32 v1, v4;
	_ =	sdelay $0x3  }
0x35: {  	v3 =	vperm.xlane v3, v2  }
0x36: {  	[tilespmem:s22], [sflag:$0x1] =	stream.indirect_vreg.gather [hbm4b:s1+s3], $0x80, v4, vm0, $0xb8;
	[tilespmem:$0x18100] =	vst v63  }
0x37: {  	v3 =	vadd.s32 v1, v3  }
0x38: {  	[tilespmem:s23], [sflag:$0x1] =	stream.indirect_vreg.gather [hbm4b:s5+s3], $0x80, v4, vm0, $0xb8;
	[tilespmem:$0x18100] =	vst v63  }
0x39: {  	_ = 	snop  }
0x3a: {  	[tilespmem:s24], [sflag:$0x1] =	stream.indirect_vreg.gather [hbm4b:s6+s3], $0x80, v4, vm0, $0xb8;
	[tilespmem:$0x18100] =	vst v63  }
0x3b: {  	_ = 	snop  }
0x3c: {  	[tilespmem:s25], [sflag:$0x1] =	stream.indirect_vreg.gather [hbm4b:s1+s3], $0x80, v3, vm0, $0xb8;
	[tilespmem:$0x18100] =	vst v63  }
0x3d: {  	_ = 	snop  }
0x3e: {  	[tilespmem:s26], [sflag:$0x1] =	stream.indirect_vreg.gather [hbm4b:s5+s3], $0x80, v3, vm0, $0xb8;
	[tilespmem:$0x18100] =	vst v63  }
0x3f: {  	_ = 	snop  }
0x40: {  	[tilespmem:s28], [sflag:$0x1] =	stream.indirect_vreg.gather [hbm4b:s6+s3], $0x80, v3, vm0, $0xb8;
	[tilespmem:$0x18100] =	vst v63  }
0x41: {  	v3 =	vld [tilespmem:$0x20];
	_ =	sdelay $0x4  }
0x42: {  	v50 =	vshrl.u32 v3, $0x3  }
0x43: {  	v4 =	vmul.u32 $0x30, v50  }
0x44: {  	v3 =	vand.u32 $0x7, v3  }
0x45: {  	v3 =	vor.u32 v3, v4  }
0x46: {  	v4 =	vperm.xlane v3, v0;
	_ =	sdelay $0x1  }
0x47: {  	v4 =	vadd.s32 v1, v4;
	_ =	sdelay $0x3  }
0x48: {  	v3 =	vperm.xlane v3, v2  }
0x49: {  	[tilespmem:s29], [sflag:$0x1] =	stream.indirect_vreg.gather [hbm4b:s1+s3], $0x80, v4, vm0, $0xb8;
	[tilespmem:$0x18100] =	vst v63  }
0x4a: {  	v3 =	vadd.s32 v1, v3  }
0x4b: {  	[tilespmem:s30], [sflag:$0x1] =	stream.indirect_vreg.gather [hbm4b:s5+s3], $0x80, v4, vm0, $0xb8;
	[tilespmem:$0x18100] =	vst v63  }
0x4c: {  	_ = 	snop  }
0x4d: {  	[tilespmem:s31], [sflag:$0x1] =	stream.indirect_vreg.gather [hbm4b:s6+s3], $0x80, v4, vm0, $0xb8;
	[tilespmem:$0x18100] =	vst v63  }
0x4e: {  	s2 =	simm.s32 $0x7900  }
0x4f: {  	[tilespmem:s2], [sflag:$0x1] =	stream.indirect_vreg.gather [hbm4b:s1+s3], $0x80, v3, vm0, $0xb8;
	[tilespmem:$0x18100] =	vst v63  }
0x50: {  	s2 =	simm.s32 $0x8100  }
0x51: {  	[tilespmem:s2], [sflag:$0x1] =	stream.indirect_vreg.gather [hbm4b:s5+s3], $0x80, v3, vm0, $0xb8;
	[tilespmem:$0x18100] =	vst v63  }
0x52: {  	_ = 	snop  }
0x53: {  	[tilespmem:s11], [sflag:$0x1] =	stream.indirect_vreg.gather [hbm4b:s6+s3], $0x80, v3, vm0, $0xb8;
	[tilespmem:$0x18100] =	vst v63  }
0x54: {  	v3 =	vld [tilespmem:$0x30];
	_ =	sdelay $0x4  }
0x55: {  	v51 =	vshrl.u32 v3, $0x3  }
0x56: {  	v4 =	vmul.u32 $0x30, v51  }
0x57: {  	v3 =	vand.u32 $0x7, v3  }
0x58: {  	v3 =	vor.u32 v3, v4  }
0x59: {  	v4 =	vperm.xlane v3, v0;
	_ =	sdelay $0x1  }
0x5a: {  	v4 =	vadd.s32 v1, v4;
	_ =	sdelay $0x3  }
0x5b: {  	v3 =	vperm.xlane v3, v2  }
0x5c: {  	[tilespmem:s12], [sflag:$0x1] =	stream.indirect_vreg.gather [hbm4b:s1+s3], $0x80, v4, vm0, $0xb8;
	[tilespmem:$0x18100] =	vst v63  }
0x5d: {  	v3 =	vadd.s32 v1, v3  }
0x5e: {  	[tilespmem:s13], [sflag:$0x1] =	stream.indirect_vreg.gather [hbm4b:s5+s3], $0x80, v4, vm0, $0xb8;
	[tilespmem:$0x18100] =	vst v63  }
0x5f: {  	_ = 	snop  }
0x60: {  	[tilespmem:s14], [sflag:$0x1] =	stream.indirect_vreg.gather [hbm4b:s6+s3], $0x80, v4, vm0, $0xb8;
	[tilespmem:$0x18100] =	vst v63  }
0x61: {  	_ = 	snop  }
0x62: {  	[tilespmem:s10], [sflag:$0x1] =	stream.indirect_vreg.gather [hbm4b:s1+s3], $0x80, v3, vm0, $0xb8;
	[tilespmem:$0x18100] =	vst v63  }
0x63: {  	s0 =	simm.s32 $0xB100  }
0x64: {  	[tilespmem:s0], [sflag:$0x1] =	stream.indirect_vreg.gather [hbm4b:s5+s3], $0x80, v3, vm0, $0xb8;
	[tilespmem:$0x18100] =	vst v63  }
0x65: {  	s0 =	simm.s32 $0xB900  }
0x66: {  	[tilespmem:s0], [sflag:$0x1] =	stream.indirect_vreg.gather [hbm4b:s6+s3], $0x80, v3, vm0, $0xb8;
	[tilespmem:$0x18100] =	vst v63  }
0x67: {  	v3 =	vld [tilespmem:$0x40];
	_ =	sdelay $0x4  }
0x68: {  	v52 =	vshrl.u32 v3, $0x3  }
0x69: {  	v4 =	vmul.u32 $0x30, v52  }
0x6a: {  	v3 =	vand.u32 $0x7, v3  }
0x6b: {  	v3 =	vor.u32 v3, v4  }
0x6c: {  	v4 =	vperm.xlane v3, v0;
	_ =	sdelay $0x1  }
0x6d: {  	v4 =	vadd.s32 v1, v4;
	_ =	sdelay $0x3  }
0x6e: {  	s0 =	simm.s32 $0xC100;
	v3 =	vperm.xlane v3, v2  }
0x6f: {  	[tilespmem:s0], [sflag:$0x1] =	stream.indirect_vreg.gather [hbm4b:s1+s3], $0x80, v4, vm0, $0xb8;
	[tilespmem:$0x18100] =	vst v63  }
0x70: {  	v3 =	vadd.s32 v1, v3;
	s0 =	simm.s32 $0xC900  }
0x71: {  	[tilespmem:s0], [sflag:$0x1] =	stream.indirect_vreg.gather [hbm4b:s5+s3], $0x80, v4, vm0, $0xb8;
	[tilespmem:$0x18100] =	vst v63  }
0x72: {  	s0 =	simm.s32 $0xD100  }
0x73: {  	[tilespmem:s0], [sflag:$0x1] =	stream.indirect_vreg.gather [hbm4b:s6+s3], $0x80, v4, vm0, $0xb8;
	[tilespmem:$0x18100] =	vst v63  }
0x74: {  	s0 =	simm.s32 $0xD900  }
0x75: {  	[tilespmem:s0], [sflag:$0x1] =	stream.indirect_vreg.gather [hbm4b:s1+s3], $0x80, v3, vm0, $0xb8;
	[tilespmem:$0x18100] =	vst v63  }
0x76: {  	s0 =	simm.s32 $0xE100  }
0x77: {  	[tilespmem:s0], [sflag:$0x1] =	stream.indirect_vreg.gather [hbm4b:s5+s3], $0x80, v3, vm0, $0xb8;
	[tilespmem:$0x18100] =	vst v63  }
0x78: {  	s0 =	simm.s32 $0xE900  }
0x79: {  	[tilespmem:s0], [sflag:$0x1] =	stream.indirect_vreg.gather [hbm4b:s6+s3], $0x80, v3, vm0, $0xb8;
	[tilespmem:$0x18100] =	vst v63  }
0x7a: {  	v3 =	vld [tilespmem:$0x50];
	_ =	sdelay $0x4  }
0x7b: {  	v53 =	vshrl.u32 v3, $0x3  }
0x7c: {  	v4 =	vmul.u32 $0x30, v53  }
0x7d: {  	v3 =	vand.u32 $0x7, v3  }
0x7e: {  	v3 =	vor.u32 v3, v4  }
0x7f: {  	v4 =	vperm.xlane v3, v0;
	_ =	sdelay $0x1  }
0x80: {  	v4 =	vadd.s32 v1, v4;
	_ =	sdelay $0x3  }
0x81: {  	s0 =	simm.s32 $0xF100;
	v3 =	vperm.xlane v3, v2  }
0x82: {  	[tilespmem:s0], [sflag:$0x1] =	stream.indirect_vreg.gather [hbm4b:s1+s3], $0x80, v4, vm0, $0xb8;
	[tilespmem:$0x18100] =	vst v63  }
0x83: {  	v3 =	vadd.s32 v1, v3;
	s0 =	simm.s32 $0xF900  }
0x84: {  	[tilespmem:s0], [sflag:$0x1] =	stream.indirect_vreg.gather [hbm4b:s5+s3], $0x80, v4, vm0, $0xb8;
	[tilespmem:$0x18100] =	vst v63  }
0x85: {  	s0 =	simm.s32 $0x10100  }
0x86: {  	[tilespmem:s0], [sflag:$0x1] =	stream.indirect_vreg.gather [hbm4b:s6+s3], $0x80, v4, vm0, $0xb8;
	[tilespmem:$0x18100] =	vst v63  }
0x87: {  	s0 =	simm.s32 $0x10900  }
0x88: {  	[tilespmem:s0], [sflag:$0x1] =	stream.indirect_vreg.gather [hbm4b:s1+s3], $0x80, v3, vm0, $0xb8;
	[tilespmem:$0x18100] =	vst v63  }
0x89: {  	s0 =	simm.s32 $0x11100  }
0x8a: {  	[tilespmem:s0], [sflag:$0x1] =	stream.indirect_vreg.gather [hbm4b:s5+s3], $0x80, v3, vm0, $0xb8;
	[tilespmem:$0x18100] =	vst v63  }
0x8b: {  	s0 =	simm.s32 $0x11900  }
0x8c: {  	[tilespmem:s0], [sflag:$0x1] =	stream.indirect_vreg.gather [hbm4b:s6+s3], $0x80, v3, vm0, $0xb8;
	[tilespmem:$0x18100] =	vst v63  }
0x8d: {  	v3 =	vld [tilespmem:$0x60];
	_ =	sdelay $0x4  }
0x8e: {  	v54 =	vshrl.u32 v3, $0x3  }
0x8f: {  	v4 =	vmul.u32 $0x30, v54  }
0x90: {  	v3 =	vand.u32 $0x7, v3  }
0x91: {  	v3 =	vor.u32 v3, v4  }
0x92: {  	v4 =	vperm.xlane v3, v0;
	_ =	sdelay $0x1  }
0x93: {  	v4 =	vadd.s32 v1, v4;
	_ =	sdelay $0x3  }
0x94: {  	s0 =	simm.s32 $0x12100;
	v3 =	vperm.xlane v3, v2  }
0x95: {  	[tilespmem:s0], [sflag:$0x1] =	stream.indirect_vreg.gather [hbm4b:s1+s3], $0x80, v4, vm0, $0xb8;
	[tilespmem:$0x18100] =	vst v63  }
0x96: {  	v3 =	vadd.s32 v1, v3;
	s0 =	simm.s32 $0x12900  }
0x97: {  	[tilespmem:s0], [sflag:$0x1] =	stream.indirect_vreg.gather [hbm4b:s5+s3], $0x80, v4, vm0, $0xb8;
	[tilespmem:$0x18100] =	vst v63  }
0x98: {  	s0 =	simm.s32 $0x13100  }
0x99: {  	[tilespmem:s0], [sflag:$0x1] =	stream.indirect_vreg.gather [hbm4b:s6+s3], $0x80, v4, vm0, $0xb8;
	[tilespmem:$0x18100] =	vst v63  }
0x9a: {  	s0 =	simm.s32 $0x13900  }
0x9b: {  	[tilespmem:s0], [sflag:$0x1] =	stream.indirect_vreg.gather [hbm4b:s1+s3], $0x80, v3, vm0, $0xb8;
	[tilespmem:$0x18100] =	vst v63  }
0x9c: {  	s0 =	simm.s32 $0x14100  }
0x9d: {  	[tilespmem:s0], [sflag:$0x1] =	stream.indirect_vreg.gather [hbm4b:s5+s3], $0x80, v3, vm0, $0xb8;
	[tilespmem:$0x18100] =	vst v63  }
0x9e: {  	s0 =	simm.s32 $0x14900  }
0x9f: {  	[tilespmem:s0], [sflag:$0x1] =	stream.indirect_vreg.gather [hbm4b:s6+s3], $0x80, v3, vm0, $0xb8;
	[tilespmem:$0x18100] =	vst v63  }
0xa0: {  	v3 =	vld [tilespmem:$0x70];
	_ =	sdelay $0x4  }
0xa1: {  	v55 =	vshrl.u32 v3, $0x3  }
0xa2: {  	v4 =	vmul.u32 $0x30, v55  }
0xa3: {  	v3 =	vand.u32 $0x7, v3  }
0xa4: {  	v3 =	vor.u32 v3, v4  }
0xa5: {  	v4 =	vperm.xlane v3, v0;
	_ =	sdelay $0x1  }
0xa6: {  	v4 =	vadd.s32 v1, v4;
	_ =	sdelay $0x3  }
0xa7: {  	s0 =	simm.s32 $0x15100;
	v3 =	vperm.xlane v3, v2  }
0xa8: {  	[tilespmem:s0], [sflag:$0x1] =	stream.indirect_vreg.gather [hbm4b:s1+s3], $0x80, v4, vm0, $0xb8;
	[tilespmem:$0x18100] =	vst v63  }
0xa9: {  	v3 =	vadd.s32 v1, v3;
	s0 =	simm.s32 $0x15900  }
0xaa: {  	[tilespmem:s0], [sflag:$0x1] =	stream.indirect_vreg.gather [hbm4b:s5+s3], $0x80, v4, vm0, $0xb8;
	[tilespmem:$0x18100] =	vst v63  }
0xab: {  	s0 =	simm.s32 $0x16100  }
0xac: {  	[tilespmem:s0], [sflag:$0x1] =	stream.indirect_vreg.gather [hbm4b:s6+s3], $0x80, v4, vm0, $0xb8;
	[tilespmem:$0x18100] =	vst v63  }
0xad: {  	s0 =	simm.s32 $0x16900  }
0xae: {  	[tilespmem:s0], [sflag:$0x1] =	stream.indirect_vreg.gather [hbm4b:s1+s3], $0x80, v3, vm0, $0xb8;
	[tilespmem:$0x18100] =	vst v63  }
0xaf: {  	s0 =	simm.s32 $0x17100  }
0xb0: {  	[tilespmem:s0], [sflag:$0x1] =	stream.indirect_vreg.gather [hbm4b:s5+s3], $0x80, v3, vm0, $0xb8;
	[tilespmem:$0x18100] =	vst v63  }
0xb1: {  	s0 =	simm.s32 $0x17900  }
0xb2: {  	[tilespmem:s0], [sflag:$0x1] =	stream.indirect_vreg.gather [hbm4b:s6+s3], $0x80, v3, vm0, $0xb8;
	[tilespmem:$0x18100] =	vst v63  }
0xb3: {  	_ =	swait.ge [sflag:s15], $0x18000  }
0xb4: {  	[sflag:s15] =	ssyncset.done $0x0  }
0xb5: {  	[sflag:s15] =	ssyncadd.s32 $0xFFFE8000  }
0xb6: {  	v3 =	vld [tilespmem:$0x80];
	_ =	sdelay $0x4  }
0xb7: {  	v56 =	vshrl.u32 v3, $0x3  }
0xb8: {  	v4 =	vmul.u32 $0x30, v56  }
0xb9: {  	v3 =	vand.u32 $0x7, v3  }
0xba: {  	v3 =	vor.u32 v3, v4  }
0xbb: {  	v4 =	vperm.xlane v3, v0;
	_ =	sdelay $0x1  }
0xbc: {  	v4 =	vadd.s32 v1, v4;
	_ =	sdelay $0x3  }
0xbd: {  	v3 =	vperm.xlane v3, v2  }
0xbe: {  	[hbm4b:s4+s3] =	stream.indirect_vreg.scatter [tilespmem:s16], [sflag:$0x1], $0x80, v4, vm0, $0xb8;
	[tilespmem:$0x18100] =	vst v63  }
0xbf: {  	v3 =	vadd.s32 v1, v3  }
0xc0: {  	[hbm4b:s7+s3] =	stream.indirect_vreg.scatter [tilespmem:s17], [sflag:$0x1], $0x80, v4, vm0, $0xb8;
	[tilespmem:$0x18100] =	vst v63  }
0xc1: {  	_ = 	snop  }
0xc2: {  	[hbm4b:s8+s3] =	stream.indirect_vreg.scatter [tilespmem:s18], [sflag:$0x1], $0x80, v4, vm0, $0xb8;
	[tilespmem:$0x18100] =	vst v63  }
0xc3: {  	_ = 	snop  }
0xc4: {  	[hbm4b:s4+s3] =	stream.indirect_vreg.scatter [tilespmem:s19], [sflag:$0x1], $0x80, v3, vm0, $0xb8;
	[tilespmem:$0x18100] =	vst v63  }
0xc5: {  	_ = 	snop  }
0xc6: {  	[hbm4b:s7+s3] =	stream.indirect_vreg.scatter [tilespmem:s20], [sflag:$0x1], $0x80, v3, vm0, $0xb8;
	[tilespmem:$0x18100] =	vst v63  }
0xc7: {  	_ = 	snop  }
0xc8: {  	[hbm4b:s8+s3] =	stream.indirect_vreg.scatter [tilespmem:s21], [sflag:$0x1], $0x80, v3, vm0, $0xb8;
	[tilespmem:$0x18100] =	vst v63  }
0xc9: {  	v3 =	vld [tilespmem:$0x90];
	_ =	sdelay $0x4  }
0xca: {  	v57 =	vshrl.u32 v3, $0x3  }
0xcb: {  	v4 =	vmul.u32 $0x30, v57  }
0xcc: {  	v3 =	vand.u32 $0x7, v3  }
0xcd: {  	v3 =	vor.u32 v3, v4  }
0xce: {  	v4 =	vperm.xlane v3, v0;
	_ =	sdelay $0x1  }
0xcf: {  	v4 =	vadd.s32 v1, v4;
	_ =	sdelay $0x3  }
0xd0: {  	v3 =	vperm.xlane v3, v2  }
0xd1: {  	[hbm4b:s4+s3] =	stream.indirect_vreg.scatter [tilespmem:s22], [sflag:$0x1], $0x80, v4, vm0, $0xb8;
	[tilespmem:$0x18100] =	vst v63  }
0xd2: {  	v3 =	vadd.s32 v1, v3  }
0xd3: {  	[hbm4b:s7+s3] =	stream.indirect_vreg.scatter [tilespmem:s23], [sflag:$0x1], $0x80, v4, vm0, $0xb8;
	[tilespmem:$0x18100] =	vst v63  }
0xd4: {  	_ = 	snop  }
0xd5: {  	[hbm4b:s8+s3] =	stream.indirect_vreg.scatter [tilespmem:s24], [sflag:$0x1], $0x80, v4, vm0, $0xb8;
	[tilespmem:$0x18100] =	vst v63  }
0xd6: {  	_ = 	snop  }
0xd7: {  	[hbm4b:s4+s3] =	stream.indirect_vreg.scatter [tilespmem:s25], [sflag:$0x1], $0x80, v3, vm0, $0xb8;
	[tilespmem:$0x18100] =	vst v63  }
0xd8: {  	_ = 	snop  }
0xd9: {  	[hbm4b:s7+s3] =	stream.indirect_vreg.scatter [tilespmem:s26], [sflag:$0x1], $0x80, v3, vm0, $0xb8;
	[tilespmem:$0x18100] =	vst v63  }
0xda: {  	_ = 	snop  }
0xdb: {  	[hbm4b:s8+s3] =	stream.indirect_vreg.scatter [tilespmem:s28], [sflag:$0x1], $0x80, v3, vm0, $0xb8;
	[tilespmem:$0x18100] =	vst v63  }
0xdc: {  	v3 =	vld [tilespmem:$0xA0];
	_ =	sdelay $0x4  }
0xdd: {  	v58 =	vshrl.u32 v3, $0x3  }
0xde: {  	v4 =	vmul.u32 $0x30, v58  }
0xdf: {  	v3 =	vand.u32 $0x7, v3  }
0xe0: {  	v3 =	vor.u32 v3, v4  }
0xe1: {  	v4 =	vperm.xlane v3, v0;
	_ =	sdelay $0x1  }
0xe2: {  	v4 =	vadd.s32 v1, v4;
	_ =	sdelay $0x3  }
0xe3: {  	v3 =	vperm.xlane v3, v2  }
0xe4: {  	[hbm4b:s4+s3] =	stream.indirect_vreg.scatter [tilespmem:s29], [sflag:$0x1], $0x80, v4, vm0, $0xb8;
	[tilespmem:$0x18100] =	vst v63  }
0xe5: {  	v3 =	vadd.s32 v1, v3  }
0xe6: {  	[hbm4b:s7+s3] =	stream.indirect_vreg.scatter [tilespmem:s30], [sflag:$0x1], $0x80, v4, vm0, $0xb8;
	[tilespmem:$0x18100] =	vst v63  }
0xe7: {  	_ = 	snop  }
0xe8: {  	[hbm4b:s8+s3] =	stream.indirect_vreg.scatter [tilespmem:s31], [sflag:$0x1], $0x80, v4, vm0, $0xb8;
	[tilespmem:$0x18100] =	vst v63  }
0xe9: {  	s17 =	simm.s32 $0x7900  }
0xea: {  	[hbm4b:s4+s3] =	stream.indirect_vreg.scatter [tilespmem:s17], [sflag:$0x1], $0x80, v3, vm0, $0xb8;
	[tilespmem:$0x18100] =	vst v63  }
0xeb: {  	_ = 	snop  }
0xec: {  	[hbm4b:s7+s3] =	stream.indirect_vreg.scatter [tilespmem:s2], [sflag:$0x1], $0x80, v3, vm0, $0xb8;
	[tilespmem:$0x18100] =	vst v63  }
0xed: {  	_ = 	snop  }
0xee: {  	[hbm4b:s8+s3] =	stream.indirect_vreg.scatter [tilespmem:s11], [sflag:$0x1], $0x80, v3, vm0, $0xb8;
	[tilespmem:$0x18100] =	vst v63  }
0xef: {  	v3 =	vld [tilespmem:$0xB0];
	_ =	sdelay $0x4  }
0xf0: {  	v59 =	vshrl.u32 v3, $0x3  }
0xf1: {  	v4 =	vmul.u32 $0x30, v59  }
0xf2: {  	v3 =	vand.u32 $0x7, v3  }
0xf3: {  	v3 =	vor.u32 v3, v4  }
0xf4: {  	v4 =	vperm.xlane v3, v0;
	_ =	sdelay $0x1  }
0xf5: {  	v4 =	vadd.s32 v1, v4;
	_ =	sdelay $0x3  }
0xf6: {  	v3 =	vperm.xlane v3, v2  }
0xf7: {  	[hbm4b:s4+s3] =	stream.indirect_vreg.scatter [tilespmem:s12], [sflag:$0x1], $0x80, v4, vm0, $0xb8;
	[tilespmem:$0x18100] =	vst v63  }
0xf8: {  	v3 =	vadd.s32 v1, v3  }
0xf9: {  	[hbm4b:s7+s3] =	stream.indirect_vreg.scatter [tilespmem:s13], [sflag:$0x1], $0x80, v4, vm0, $0xb8;
	[tilespmem:$0x18100] =	vst v63  }
0xfa: {  	_ = 	snop  }
0xfb: {  	[hbm4b:s8+s3] =	stream.indirect_vreg.scatter [tilespmem:s14], [sflag:$0x1], $0x80, v4, vm0, $0xb8;
	[tilespmem:$0x18100] =	vst v63  }
0xfc: {  	_ = 	snop  }
0xfd: {  	[hbm4b:s4+s3] =	stream.indirect_vreg.scatter [tilespmem:s10], [sflag:$0x1], $0x80, v3, vm0, $0xb8;
	[tilespmem:$0x18100] =	vst v63  }
0xfe: {  	s17 =	simm.s32 $0xB100  }
0xff: {  	[hbm4b:s7+s3] =	stream.indirect_vreg.scatter [tilespmem:s17], [sflag:$0x1], $0x80, v3, vm0, $0xb8;
	[tilespmem:$0x18100] =	vst v63  }
0x100: {  	s16 =	simm.s32 $0xB900  }
0x101: {  	[hbm4b:s8+s3] =	stream.indirect_vreg.scatter [tilespmem:s16], [sflag:$0x1], $0x80, v3, vm0, $0xb8;
	[tilespmem:$0x18100] =	vst v63  }
0x102: {  	v3 =	vld [tilespmem:$0xC0];
	_ =	sdelay $0x4  }
0x103: {  	v60 =	vshrl.u32 v3, $0x3  }
0x104: {  	v4 =	vmul.u32 $0x30, v60  }
0x105: {  	v3 =	vand.u32 $0x7, v3  }
0x106: {  	v3 =	vor.u32 v3, v4  }
0x107: {  	v4 =	vperm.xlane v3, v0;
	_ =	sdelay $0x1  }
0x108: {  	v4 =	vadd.s32 v1, v4;
	_ =	sdelay $0x3  }
0x109: {  	s17 =	simm.s32 $0xC100;
	v3 =	vperm.xlane v3, v2  }
0x10a: {  	[hbm4b:s4+s3] =	stream.indirect_vreg.scatter [tilespmem:s17], [sflag:$0x1], $0x80, v4, vm0, $0xb8;
	[tilespmem:$0x18100] =	vst v63  }
0x10b: {  	s16 =	simm.s32 $0xC900;
	v3 =	vadd.s32 v1, v3  }
0x10c: {  	[hbm4b:s7+s3] =	stream.indirect_vreg.scatter [tilespmem:s16], [sflag:$0x1], $0x80, v4, vm0, $0xb8;
	[tilespmem:$0x18100] =	vst v63  }
0x10d: {  	s17 =	simm.s32 $0xD100  }
0x10e: {  	[hbm4b:s8+s3] =	stream.indirect_vreg.scatter [tilespmem:s17], [sflag:$0x1], $0x80, v4, vm0, $0xb8;
	[tilespmem:$0x18100] =	vst v63  }
0x10f: {  	s16 =	simm.s32 $0xD900  }
0x110: {  	[hbm4b:s4+s3] =	stream.indirect_vreg.scatter [tilespmem:s16], [sflag:$0x1], $0x80, v3, vm0, $0xb8;
	[tilespmem:$0x18100] =	vst v63  }
0x111: {  	s17 =	simm.s32 $0xE100  }
0x112: {  	[hbm4b:s7+s3] =	stream.indirect_vreg.scatter [tilespmem:s17], [sflag:$0x1], $0x80, v3, vm0, $0xb8;
	[tilespmem:$0x18100] =	vst v63  }
0x113: {  	s16 =	simm.s32 $0xE900  }
0x114: {  	[hbm4b:s8+s3] =	stream.indirect_vreg.scatter [tilespmem:s16], [sflag:$0x1], $0x80, v3, vm0, $0xb8;
	[tilespmem:$0x18100] =	vst v63  }
0x115: {  	v3 =	vld [tilespmem:$0xD0];
	_ =	sdelay $0x4  }
0x116: {  	v61 =	vshrl.u32 v3, $0x3  }
0x117: {  	v4 =	vmul.u32 $0x30, v61  }
0x118: {  	v3 =	vand.u32 $0x7, v3  }
0x119: {  	v3 =	vor.u32 v3, v4  }
0x11a: {  	v4 =	vperm.xlane v3, v0;
	_ =	sdelay $0x1  }
0x11b: {  	v4 =	vadd.s32 v1, v4;
	_ =	sdelay $0x3  }
0x11c: {  	s17 =	simm.s32 $0xF100;
	v3 =	vperm.xlane v3, v2  }
0x11d: {  	[hbm4b:s4+s3] =	stream.indirect_vreg.scatter [tilespmem:s17], [sflag:$0x1], $0x80, v4, vm0, $0xb8;
	[tilespmem:$0x18100] =	vst v63  }
0x11e: {  	s16 =	simm.s32 $0xF900;
	v3 =	vadd.s32 v1, v3  }
0x11f: {  	[hbm4b:s7+s3] =	stream.indirect_vreg.scatter [tilespmem:s16], [sflag:$0x1], $0x80, v4, vm0, $0xb8;
	[tilespmem:$0x18100] =	vst v63  }
0x120: {  	s17 =	simm.s32 $0x10100  }
0x121: {  	[hbm4b:s8+s3] =	stream.indirect_vreg.scatter [tilespmem:s17], [sflag:$0x1], $0x80, v4, vm0, $0xb8;
	[tilespmem:$0x18100] =	vst v63  }
0x122: {  	s16 =	simm.s32 $0x10900  }
0x123: {  	[hbm4b:s4+s3] =	stream.indirect_vreg.scatter [tilespmem:s16], [sflag:$0x1], $0x80, v3, vm0, $0xb8;
	[tilespmem:$0x18100] =	vst v63  }
0x124: {  	s17 =	simm.s32 $0x11100  }
0x125: {  	[hbm4b:s7+s3] =	stream.indirect_vreg.scatter [tilespmem:s17], [sflag:$0x1], $0x80, v3, vm0, $0xb8;
	[tilespmem:$0x18100] =	vst v63  }
0x126: {  	s16 =	simm.s32 $0x11900  }
0x127: {  	[hbm4b:s8+s3] =	stream.indirect_vreg.scatter [tilespmem:s16], [sflag:$0x1], $0x80, v3, vm0, $0xb8;
	[tilespmem:$0x18100] =	vst v63  }
0x128: {  	v3 =	vld [tilespmem:$0xE0];
	_ =	sdelay $0x4  }
0x129: {  	v62 =	vshrl.u32 v3, $0x3  }
0x12a: {  	v4 =	vmul.u32 $0x30, v62  }
0x12b: {  	v3 =	vand.u32 $0x7, v3  }
0x12c: {  	v3 =	vor.u32 v3, v4  }
0x12d: {  	v4 =	vperm.xlane v3, v0;
	_ =	sdelay $0x1  }
0x12e: {  	v4 =	vadd.s32 v1, v4;
	_ =	sdelay $0x3  }
0x12f: {  	s17 =	simm.s32 $0x12100;
	v3 =	vperm.xlane v3, v2  }
0x130: {  	[hbm4b:s4+s3] =	stream.indirect_vreg.scatter [tilespmem:s17], [sflag:$0x1], $0x80, v4, vm0, $0xb8;
	[tilespmem:$0x18100] =	vst v63  }
0x131: {  	s16 =	simm.s32 $0x12900;
	v3 =	vadd.s32 v1, v3  }
0x132: {  	[hbm4b:s7+s3] =	stream.indirect_vreg.scatter [tilespmem:s16], [sflag:$0x1], $0x80, v4, vm0, $0xb8;
	[tilespmem:$0x18100] =	vst v63  }
0x133: {  	s17 =	simm.s32 $0x13100  }
0x134: {  	[hbm4b:s8+s3] =	stream.indirect_vreg.scatter [tilespmem:s17], [sflag:$0x1], $0x80, v4, vm0, $0xb8;
	[tilespmem:$0x18100] =	vst v63  }
0x135: {  	s16 =	simm.s32 $0x13900  }
0x136: {  	[hbm4b:s4+s3] =	stream.indirect_vreg.scatter [tilespmem:s16], [sflag:$0x1], $0x80, v3, vm0, $0xb8;
	[tilespmem:$0x18100] =	vst v63  }
0x137: {  	s17 =	simm.s32 $0x14100  }
0x138: {  	[hbm4b:s7+s3] =	stream.indirect_vreg.scatter [tilespmem:s17], [sflag:$0x1], $0x80, v3, vm0, $0xb8;
	[tilespmem:$0x18100] =	vst v63  }
0x139: {  	s16 =	simm.s32 $0x14900  }
0x13a: {  	[hbm4b:s8+s3] =	stream.indirect_vreg.scatter [tilespmem:s16], [sflag:$0x1], $0x80, v3, vm0, $0xb8;
	[tilespmem:$0x18100] =	vst v63  }
0x13b: {  	v3 =	vld [tilespmem:$0xF0];
	_ =	sdelay $0x4  }
0x13c: {  	v63 =	vshrl.u32 v3, $0x3  }
0x13d: {  	v4 =	vmul.u32 $0x30, v63  }
0x13e: {  	v3 =	vand.u32 $0x7, v3  }
0x13f: {  	v3 =	vor.u32 v3, v4  }
0x140: {  	v4 =	vperm.xlane v3, v0;
	_ =	sdelay $0x1  }
0x141: {  	v4 =	vadd.s32 v1, v4;
	_ =	sdelay $0x3  }
0x142: {  	s17 =	simm.s32 $0x15100;
	v3 =	vperm.xlane v3, v2  }
0x143: {  	[hbm4b:s4+s3] =	stream.indirect_vreg.scatter [tilespmem:s17], [sflag:$0x1], $0x80, v4, vm0, $0xb8;
	[tilespmem:$0x18100] =	vst v63  }
0x144: {  	s16 =	simm.s32 $0x15900;
	v3 =	vadd.s32 v1, v3  }
0x145: {  	[hbm4b:s7+s3] =	stream.indirect_vreg.scatter [tilespmem:s16], [sflag:$0x1], $0x80, v4, vm0, $0xb8;
	[tilespmem:$0x18100] =	vst v63  }
0x146: {  	s17 =	simm.s32 $0x16100  }
0x147: {  	[hbm4b:s8+s3] =	stream.indirect_vreg.scatter [tilespmem:s17], [sflag:$0x1], $0x80, v4, vm0, $0xb8;
	[tilespmem:$0x18100] =	vst v63  }
0x148: {  	s16 =	simm.s32 $0x16900  }
0x149: {  	[hbm4b:s4+s3] =	stream.indirect_vreg.scatter [tilespmem:s16], [sflag:$0x1], $0x80, v3, vm0, $0xb8;
	[tilespmem:$0x18100] =	vst v63  }
0x14a: {  	p0 =	sne.s32 s9, $0x1;
	s17 =	simm.s32 $0x17100  }
0x14b: {  	[hbm4b:s7+s3] =	stream.indirect_vreg.scatter [tilespmem:s17], [sflag:$0x1], $0x80, v3, vm0, $0xb8;
	[tilespmem:$0x18100] =	vst v63  }
.Ltmp0:
0x14c: {  	_ = 	snop;
	(pc) =	sbr.rel @p0 .LBB2_1-.Ltmp0, $4  }
0x14d: {  	[hbm4b:s8+s3] =	stream.indirect_vreg.scatter [tilespmem:s0], [sflag:$0x1], $0x80, v3, vm0, $0xb8;
	[tilespmem:$0x18100] =	vst v63  }
0x14e: {  	_ =	swait.ge [sflag:s15], $0x18000  }
0x14f: {  	[sflag:s15] =	ssyncset.done $0x0  }
0x150: {  	s9 =	sadd.s32 $0xFFFFFFFF, s9;
	[sflag:s15] =	ssyncadd.s32 $0xFFFE8000  }
0x151: {  	_ =	sfence.sel $0x180000  }
0x152: {  	[bflag:$0x0] =	sbarrier.arrive $0xFFFF  }
0x153: {  	_ =	strace $0x9000004A  }
0x154: {  	s0 =	stileid.u32;
	[bflag:$0x2] =	sbarrier.arrive $0xFFFF  }
0x155: {  	p0 =	sne.s32 s0, $0x0;
	s0 =	rddreg [dreg:$0x3]  }
0x156: {  	s0 =	sadd.s32 @!p0 $0x100000, s0  }
0x157: {  	[sflag:s0] =	ssyncadd.tile.s32 @!p0 $0x1;
	_ =	shalt  }
.Lfunc_end2:
_tile_overlayer_lowered:
.L_overlay_start_2:
0x158: {  	(tag) =	ssettag $0x2  }
0x159: {  	s0 =	rddreg [dreg:$0x0];
	s2 =	stileid.u32  }
0x15a: {  	s1 =	rddreg [dreg:$0x1];
	p0 =	sne.s32 s2, $0x0  }
0x15b: {  	s3 =	rddreg [dreg:$0x2];
	[bflag:$0x3] =	sbarrier.arrive $0xFFFF;
	s2 =	simm.s32 @!p0 $0x1C02  }
0x15c: {  	[timem:s3], [sflag:s2] =	dma.local @!p0 [hbm:s0], s1  }
0x15d: {  	s0 =	simm.s32 @!p0 $0x2  }
0x15e: {  	_ =	swait.ge @!p0 [sflag:s0], s1  }
0x15f: {  	s1 =	ssub.s32 @!p0 $0x0, s1;
	[sflag:s0] =	ssyncset.done @!p0 $0x0  }
0x160: {  	[sflag:s0] =	ssyncadd.s32 @!p0 s1  }
0x161: {  	[bflag:$0x3] =	sbarrier.arrive $0xFFFF  }
0x162: {  	_ =	shalt  }

// kernel: kernel.8.cloned.1.call-start
scs
__scs_entry_jumppad:
0x0: {  	(pc) =	sbr.rel $0x88, $3  }
0x1: {  	(tag) =	ssettag $0x0;
	lr =	simm.s32 $0x1  }
0x2: {  	[smem:$0x3F9C] =	sst lr;
	_ =	strace $0xD0000000  }
0x3: {  	_ = 	snop  }
0x4: {  	_ = 	snop  }
0x5: {  	_ = 	snop  }
0x6: {  	_ = 	snop  }
0x7: {  	_ = 	snop  }
__scs_overlays_trampoline_lowered:
0x8: {  	[smem:$0x3FAB] =	sst s0  }
0x9: {  	[smem:$0x3FAC] =	sst s1  }
0xa: {  	[smem:$0x3FAD] =	sst s2  }
0xb: {  	[smem:$0x3FAE] =	sst s3  }
0xc: {  	[smem:$0x3FAF] =	sst s4  }
0xd: {  	[smem:$0x3FB0] =	sst s5  }
0xe: {  	[smem:$0x3FB1] =	sst s6  }
0xf: {  	[smem:$0x3FB2] =	sst s7  }
0x10: {  	[smem:$0x3FB3] =	sst s8  }
0x11: {  	[smem:$0x3FB4] =	sst s9;
	s0 =	simm.s32 @!p0 $0x0  }
0x12: {  	s1 =	sld [smem:$0x3F9A];
	s0 =	simm.s32 @p0 $0x1  }
0x13: {  	[smem:$0x3FB5] =	sst s0;
	s0 =	simm.s32 @!p1 $0x0  }
0x14: {  	s2 =	sld [smem:$0x3F99];
	s0 =	simm.s32 @p1 $0x1  }
0x15: {  	[smem:$0x3FB6] =	sst s0;
	s0 =	simm.s32 @!p2 $0x0  }
0x16: {  	s3 =	sld [smem:$0x3FDB];
	s0 =	simm.s32 @p2 $0x1  }
0x17: {  	s4 =	simm.s32 $0x1BF5;
	[smem:$0x3FB8] =	sst s0  }
0x18: {  	s0 =	sld [smem:$0x3F9B];
	_ =	swait.ge [sflag:s4], $0x0  }
0x19: {  	s7 =	sld [smem:$0x3F9C]  }
0x1a: {  	s8 =	sadd.s32 $0xFFFFE003, lr  }
0x1b: {  	s9 =	sadd.s32 $0xFFFFFEF7, lr;
	s5 =	simm.s32 $0xFFFFFFFF;
	p2 =	slt.u32 s8, $0xFFFFF086  }
0x1c: {  	p1 =	slt.u32 s9, $0xF7A;
	s5 =	simm.s32 @!p2 $0x0  }
0x1d: {  	s5 =	simm.s32 @p1 $0x1;
	p0 =	seq.s32 s7, s2  }
0x1e: {  	s7 =	smul.u32 @!p0 $0xF7A, s2;
	p2 =	seq.s32 @!p0 s5, $0x0  }
0x1f: {  	s9 =	smul.u32 $0xF7A, s1;
	s8 =	simm.s32 @!p0 $0x1BF5;
	p2 =	por !p2, p0  }
0x20: {  	[sflag:s8] =	ssyncset.s32 @!p0 $0xFFFFF086;
	s6 =	sadd.s32 @!p0 s3, s7;
	s7 =	simm.s32 @!p0 $0x108  }
0x21: {  	s3 =	sadd.s32 s3, s9;
	s6 =	sadd.s32 @!p0 $0x88, s6;
	s7 =	simm.s32 @p2 $0x1082  }
0x22: {  	[simem:s7], [sflag:s8] =	dma.local @!p0 [hbm:s6], $0xF7A  }
0x23: {  	s9 =	sor.u32 $0xD0000000, s2;
	s6 =	simm.s32 $0x108;
	_ =	swait.ge @!p0 [sflag:s8], $0x0  }
0x24: {  	s3 =	sadd.s32 $0x88, s3;
	s6 =	simm.s32 @!p1 $0x1082;
	[sflag:s4] =	ssyncset.s32 $0xFFFFF086  }
0x25: {  	[simem:s6], [sflag:s4] =	dma.local [hbm:s3], $0xF7A  }
0x26: {  	[smem:$0x3F9C] =	sst s1;
	(tag) =	ssettag s2;
	_ =	strace s9  }
0x27: {  	s1 =	sld [smem:$0x3FAC]  }
0x28: {  	s2 =	sld [smem:$0x3FAD]  }
0x29: {  	s4 =	sld [smem:$0x3FAF]  }
0x2a: {  	p0 =	seq.s32 s5, $0x0;
	s5 =	sld [smem:$0x3FB0]  }
0x2b: {  	s6 =	sld [smem:$0x3FB1]  }
0x2c: {  	s7 =	sld [smem:$0x3FB2]  }
0x2d: {  	s3 =	simm.s32 $0x108;
	s8 =	sld [smem:$0x3FB3]  }
0x2e: {  	s3 =	simm.s32 @!p0 $0x1082;
	s9 =	sld [smem:$0x3FB4]  }
0x2f: {  	lr =	sadd.s32 s0, s3;
	s0 =	sld [smem:$0x3FAB]  }
0x30: {  	s3 =	sld [smem:$0x3FAE]  }
0x31: {  	[smem:$0x3FB7] =	sst s10  }
0x32: {  	s10 =	sld [smem:$0x3FB5];
	_ =	sdelay $0x3  }
0x33: {  	p0 =	seq.s32 s10, $0x1;
	s10 =	sld [smem:$0x3FB7];
	_ =	sdelay $0x3  }
0x34: {  	[smem:$0x3FB7] =	sst s10  }
0x35: {  	s10 =	sld [smem:$0x3FB6];
	_ =	sdelay $0x3  }
0x36: {  	p1 =	seq.s32 s10, $0x1;
	s10 =	sld [smem:$0x3FB7];
	_ =	sdelay $0x3  }
0x37: {  	[smem:$0x3FB7] =	sst s10  }
0x38: {  	s10 =	sld [smem:$0x3FB8]  }
0x39: {  	_ = 	snop;
	(pc) =	sbr.ind lr, $3  }
0x3a: {  	_ = 	snop  }
0x3b: {  	_ = 	snop  }
0x3c: {  	p2 =	seq.s32 s10, $0x1;
	s10 =	sld [smem:$0x3FB7]  }
0x3d: {  	_ =	shalt  }
0x3e: {  	_ =	shalt  }
0x3f: {  	_ =	shalt  }
0x40: {  	_ =	shalt  }
0x41: {  	_ =	shalt  }
0x42: {  	_ =	shalt  }
0x43: {  	_ =	shalt  }
0x44: {  	_ =	shalt  }
0x45: {  	_ =	shalt  }
0x46: {  	_ =	shalt  }
0x47: {  	_ =	shalt  }
0x48: {  	_ =	shalt  }
0x49: {  	_ =	shalt  }
0x4a: {  	_ =	shalt  }
0x4b: {  	_ =	shalt  }
0x4c: {  	_ =	shalt  }
0x4d: {  	_ =	shalt  }
0x4e: {  	_ =	shalt  }
0x4f: {  	_ =	shalt  }
0x50: {  	_ =	shalt  }
0x51: {  	_ =	shalt  }
0x52: {  	_ =	shalt  }
0x53: {  	_ =	shalt  }
0x54: {  	_ =	shalt  }
0x55: {  	_ =	shalt  }
0x56: {  	_ =	shalt  }
0x57: {  	_ =	shalt  }
0x58: {  	_ =	shalt  }
0x59: {  	_ =	shalt  }
0x5a: {  	_ =	shalt  }
0x5b: {  	_ =	shalt  }
0x5c: {  	_ =	shalt  }
0x5d: {  	_ =	shalt  }
0x5e: {  	_ =	shalt  }
0x5f: {  	_ =	shalt  }
0x60: {  	_ =	shalt  }
0x61: {  	_ =	shalt  }
0x62: {  	_ =	shalt  }
0x63: {  	_ =	shalt  }
0x64: {  	_ =	shalt  }
0x65: {  	_ =	shalt  }
0x66: {  	_ =	shalt  }
0x67: {  	_ =	shalt  }
0x68: {  	_ =	shalt  }
0x69: {  	_ =	shalt  }
0x6a: {  	_ =	shalt  }
0x6b: {  	_ =	shalt  }
0x6c: {  	_ =	shalt  }
0x6d: {  	_ =	shalt  }
0x6e: {  	_ =	shalt  }
0x6f: {  	_ =	shalt  }
0x70: {  	_ =	shalt  }
0x71: {  	_ =	shalt  }
0x72: {  	_ =	shalt  }
0x73: {  	_ =	shalt  }
0x74: {  	_ =	shalt  }
0x75: {  	_ =	shalt  }
0x76: {  	_ =	shalt  }
0x77: {  	_ =	shalt  }
0x78: {  	_ =	shalt  }
0x79: {  	_ =	shalt  }
0x7a: {  	_ =	shalt  }
0x7b: {  	_ =	shalt  }
0x7c: {  	_ =	shalt  }
0x7d: {  	_ =	shalt  }
0x7e: {  	_ =	shalt  }
0x7f: {  	_ =	shalt  }
0x80: {  	_ =	shalt  }
0x81: {  	_ =	shalt  }
0x82: {  	_ =	shalt  }
0x83: {  	_ =	shalt  }
0x84: {  	_ =	shalt  }
0x85: {  	_ =	shalt  }
0x86: {  	_ =	shalt  }
0x87: {  	_ =	shalt  }
.Lfunc_end0:
.L_simem_size_0:
called_computation.2_lowered:
.L_overlay_start_0:
0x88: {  	s2 =	sld [smem:$0x3FD9]  }
0x89: {  	s3 =	sld [smem:$0x3FFE];
	_ =	sdelay $0x1  }
0x8a: {  	s1 =	srdreg.scid  }
0x8b: {  	s0 =	sand.u32 $0x1, s1  }
0x8c: {  	s17 =	sshll.u32 s0, $0xA;
	s2 =	sadd.s32 s3, s2  }
0x8d: {  	s2 =	sadd.s32 s2, s17  }
0x8e: {  	[smem:$0x3FC3] =	sst s2  }
0x8f: {  	_ = 	snop  }
0x90: {  	s2 =	sld [smem:$0x3FD0];
	(tm) =	ssettm $0x1  }
0x91: {  	s18 =	sld [smem:$0x3FFB];
	_ =	sdelay $0x3  }
0x92: {  	_ =	strace s18  }
0x93: {  	s3 =	sld [smem:$0x3FFC];
	_ =	sdelay $0x3  }
0x94: {  	_ =	strace s3  }
0x95: {  	s3 =	sld [smem:$0x3FFD];
	_ =	sdelay $0x3  }
0x96: {  	_ =	strace s3  }
0x97: {  	_ =	strace $0x8FFFFFFF  }
0x98: {  	s19 =	sld [smem:$0x3FDB];
	_ =	sdelay $0x1  }
0x99: {  	s4 =	simm.s32 $_scs_section_size  }
0x9a: {  	s5 =	simm.s32 $_size__tile_overlayer_lowered;
	s6 =	simm.s32 $_tile_overlayer_lowered  }
0x9b: {  	s22 =	simm.s32 $0x1BFF;
	s21 =	sshll.u32 s6, $0x1;
	s3 =	sadd.s32 s4, s19  }
0x9c: {  	s7 =	simm.s32 $0x0;
	s20 =	sshll.u32 s5, $0x1;
	s5 =	sadd.s32 s21, s3  }
0x9d: {  	[timem:s7], [sflag:s22] =	dma.local [hbm:s5], s20  }
0x9e: {  	_ =	swait.ge [sflag:s22], s20  }
0x9f: {  	s4 =	ssub.s32 $0x0, s20;
	[sflag:s22] =	ssyncset.done $0x0  }
0xa0: {  	[sflag:s22] =	ssyncadd.s32 s4;
	_ =	sdelay $0x1  }
0xa1: {  	s23 =	simm.s32 $0x1B8B  }
0xa2: {  	_ =	swait.ge [sflag:s23], $0x1  }
0xa3: {  	[sflag:s23] =	ssyncset.done $0x0  }
0xa4: {  	s25 =	simm.s32 $0x1B8E;
	s24 =	sld [smem:$0x3FFE];
	[sflag:s23] =	ssyncadd.s32 $0xFFFFFFFF  }
0xa5: {  	s26 =	simm.s32 $execute0_lowered;
	[smem:$0x3FD2] =	sst s25  }
0xa6: {  	s5 =	sshll.u32 s26, $0x1;
	_ =	strace $0x8000004C;
	[dreg:$0x1] =	wrdreg $0xFFFFFFFF  }
0xa7: {  	s28 =	simm.s32 $_size_execute0_lowered;
	s3 =	sadd.s32 s3, s5;
	[dreg:$0x0] =	wrdreg $0x0  }
0xa8: {  	s5 =	sshll.u32 s28, $0x1;
	[dreg:$0x2] =	wrdreg s3  }
0xa9: {  	[dreg:$0x3] =	wrdreg s5  }
0xaa: {  	[dreg:$0x4] =	wrdreg $0xC0  }
0xab: {  	_ =	task [dreg:s7], $0x5FFFF  }
0xac: {  	[dreg:$0x1] =	wrdreg $0xFFFFFFFF  }
0xad: {  	[dreg:$0x0] =	wrdreg $0x60  }
0xae: {  	[dreg:$0x2] =	wrdreg s24  }
0xaf: {  	[dreg:$0x3] =	wrdreg s2  }
0xb0: {  	[dreg:$0x4] =	wrdreg $0x9  }
0xb1: {  	_ =	task.clear_ibuf [dreg:s7], $0x5FFFF;
	_ =	strace $0x9000004C  }
0xb2: {  	s29 =	simm.s32 $0x9;
	_ =	strace $0x8000004E  }
0xb3: {  	_ =	swait.ge [sflag:s29], $0x1  }
0xb4: {  	[sflag:s29] =	ssyncadd.s32 $0xFFFFFFFF  }
0xb5: {  	_ =	strace $0x9000004E  }
0xb6: {  	_ =	sfence  }
0xb7: {  	s30 =	sld [smem:$0x0];
	_ =	sdelay $0x2  }
0xb8: {  	s31 =	sshll.u32 s1, $0xD;
	s1 =	sshrl.u32 s1, $0x2  }
0xb9: {  	s3 =	sand.u32 $0x4000, s31;
	s1 =	sadd.s32 s1, s30  }
0xba: {  	s0 =	sor.u32 s3, s0;
	s1 =	sshll.u32 s1, $0x11  }
0xbb: {  	s0 =	sor.u32 s1, s0  }
0xbc: {  	s0 =	sadd.s32 $0x8F2B, s0  }
0xbd: {  	[sflag:s0] =	ssyncadd.remote.s32 $0x1  }
0xbe: {  	_ =	sfence.sel $0xFFFF  }
0xbf: {  	[dreg:$0x0] =	wrdreg $0xFFFFFFFF;
	(pc) =	sbr.abs _section_cstart, $3  }
0xc0: {  	[dreg:$0x1] =	wrdreg $0xFFFFFFFF  }
0xc1: {  	_ =	task.clear_ibuf [dreg:s7], $0x2FFFF;
	_ =	strace $0x9FFFFFFF  }
0xc2: {  	(tm) =	ssettm $0x7FFFFFFF  }
0xc3: {  	_ =	shalt  }
tec
execute0_lowered:
.L_overlay_start_1:
0x0: {  	(tag) =	ssettag $0x1  }
0x1: {  	s0 =	rddreg [dreg:$0x0]  }
0x2: {  	s1 =	rddreg [dreg:$0x1];
	s2 =	simm.s32 $0x0;
	s3 =	srdreg.scid  }
0x3: {  	s5 =	stileid.u32;
	s14 =	simm.s32 $0x180;
	s12 =	simm.s32 $0x13980  }
0x4: {  	s13 =	simm.s32 $0x14180;
	s15 =	simm.s32 $0x14980;
	s16 =	simm.s32 $0x15180  }
0x5: {  	s17 =	simm.s32 $0x15980;
	s18 =	simm.s32 $0x16180;
	s19 =	simm.s32 $0x16980  }
0x6: {  	s20 =	simm.s32 $0x17180;
	s21 =	simm.s32 $0x17980;
	s22 =	simm.s32 $0x1  }
0x7: {  	s23 =	simm.s32 $0x2;
	s4 =	sand.u32 $0x1, s3;
	s5 =	sshll.u32 s5, $0x1  }
0x8: {  	[smem:$0x7FF] =	sst s2;
	s3 =	sadd.s32 $0x122600, s0;
	s6 =	sor.u32 s4, s5  }
0x9: {  	_ =	strace $0x8000004D;
	s8 =	ssub.s32 $0x2, s4;
	s5 =	sshll.u32 s6, $0x3  }
0xa: {  	s7 =	sshll.u32 s6, $0x4;
	s9 =	sshrl.u32 s8, $0x1;
	s10 =	smul.u32 $0x1800, s6  }
0xb: {  	s5 =	sadd.s32 s5, s0;
	s11 =	ssub.s32 s8, s9;
	s8 =	sadd.s32 $0x122800, s0  }
0xc: {  	v2 =	vlaneseq.u32;
	s7 =	sadd.s32 s7, s0;
	s4 =	sadd.s32 $0x122400, s5;
	s5 =	sadd.s32 $0x800, s5  }
0xd: {  	vm0 =	vmmov $0xffff;
	s24 =	simm.s32 $0x0;
	v1 =	vshrl.u32 v2, $0x3;
	s6 =	sadd.s32 $0x122200, s7;
	s7 =	sadd.s32 $0x122700, s0  }
0xe: {  	v0 =	vand.u32 $0x7, v2;
	v2 =	vor.u32 $0x8, v2;
	v1 =	vmul.u32 $0x8, v1;
	s9 =	sadd.s32 s1, s10;
	s10 =	smax.u32 s11, $0x1;
	s11 =	simm.s32 $0x3  }
.LBB2_1:
0xf: {  	[tilespmem:s2], [sflag:$0x3] =	stream.linear.gather [hbm4b:s4+s2], $0x40, $0x38;
	[tilespmem:$0x18180] =	vst v63  }
0x10: {  	_ =	swait.ge [sflag:s11], $0x40  }
0x11: {  	[sflag:s11] =	ssyncset.done $0x0  }
0x12: {  	s0 =	simm.s32 $0x80;
	[sflag:s11] =	ssyncadd.s32 $0xFFFFFFC0  }
0x13: {  	[tilespmem:s0], [sflag:$0x3] =	stream.linear.gather [hbm4b:s5+s2], $0x40, $0x38;
	[tilespmem:$0x18180] =	vst v63  }
0x14: {  	_ =	swait.ge [sflag:s11], $0x40  }
0x15: {  	[sflag:s11] =	ssyncset.done $0x0  }
0x16: {  	s28 =	simm.s32 $0x100;
	[sflag:s11] =	ssyncadd.s32 $0xFFFFFFC0  }
0x17: {  	[tilespmem:s28], [sflag:$0x3] =	stream.linear.gather [hbm4b:s6+s2], $0x80, $0x38;
	[tilespmem:$0x18180] =	vst v63  }
0x18: {  	_ =	swait.ge [sflag:s11], $0x80  }
0x19: {  	[sflag:s11] =	ssyncset.done $0x0  }
0x1a: {  	[sflag:s11] =	ssyncadd.s32 $0xFFFFFF80  }
0x1b: {  	v3 =	vld [tilespmem:$0x0];
	_ =	sdelay $0x4  }
0x1c: {  	v4 =	vshrl.u32 v3, $0x3  }
0x1d: {  	v4 =	vmul.u32 $0x30, v4  }
0x1e: {  	v3 =	vand.u32 $0x7, v3  }
0x1f: {  	v3 =	vor.u32 v3, v4  }
0x20: {  	v4 =	vperm.xlane v3, v0;
	_ =	sdelay $0x1  }
0x21: {  	v4 =	vadd.s32 v1, v4;
	_ =	sdelay $0x3  }
0x22: {  	v3 =	vperm.xlane v3, v2  }
0x23: {  	[tilespmem:s14], [sflag:$0x1] =	stream.indirect_vreg.gather [hbm4b:s3+s2], $0x80, v4, vm0, $0xb8;
	[tilespmem:$0x18180] =	vst v63  }
0x24: {  	s29 =	simm.s32 $0x980;
	v3 =	vadd.s32 v1, v3  }
0x25: {  	[tilespmem:s29], [sflag:$0x1] =	stream.indirect_vreg.gather [hbm4b:s7+s2], $0x80, v4, vm0, $0xb8;
	[tilespmem:$0x18180] =	vst v63  }
0x26: {  	s30 =	simm.s32 $0x1180  }
0x27: {  	[tilespmem:s30], [sflag:$0x1] =	stream.indirect_vreg.gather [hbm4b:s8+s2], $0x80, v4, vm0, $0xb8;
	[tilespmem:$0x18180] =	vst v63  }
0x28: {  	s31 =	simm.s32 $0x1980  }
0x29: {  	[tilespmem:s31], [sflag:$0x1] =	stream.indirect_vreg.gather [hbm4b:s3+s2], $0x80, v3, vm0, $0xb8;
	[tilespmem:$0x18180] =	vst v63  }
0x2a: {  	s1 =	simm.s32 $0x2180  }
0x2b: {  	[tilespmem:s1], [sflag:$0x1] =	stream.indirect_vreg.gather [hbm4b:s7+s2], $0x80, v3, vm0, $0xb8;
	[tilespmem:$0x18180] =	vst v63  }
0x2c: {  	s25 =	simm.s32 $0x2980  }
0x2d: {  	[tilespmem:s25], [sflag:$0x1] =	stream.indirect_vreg.gather [hbm4b:s8+s2], $0x80, v3, vm0, $0xb8;
	[tilespmem:$0x18180] =	vst v63  }
0x2e: {  	v3 =	vld [tilespmem:$0x10];
	_ =	sdelay $0x4  }
0x2f: {  	v57 =	vshrl.u32 v3, $0x3  }
0x30: {  	v4 =	vmul.u32 $0x30, v57  }
0x31: {  	v3 =	vand.u32 $0x7, v3  }
0x32: {  	v3 =	vor.u32 v3, v4  }
0x33: {  	v4 =	vperm.xlane v3, v0;
	_ =	sdelay $0x1  }
0x34: {  	v4 =	vadd.s32 v1, v4;
	_ =	sdelay $0x3  }
0x35: {  	s26 =	simm.s32 $0x3180;
	v3 =	vperm.xlane v3, v2  }
0x36: {  	[tilespmem:s26], [sflag:$0x1] =	stream.indirect_vreg.gather [hbm4b:s3+s2], $0x80, v4, vm0, $0xb8;
	[tilespmem:$0x18180] =	vst v63  }
0x37: {  	s28 =	simm.s32 $0x3980;
	v3 =	vadd.s32 v1, v3  }
0x38: {  	[tilespmem:s28], [sflag:$0x1] =	stream.indirect_vreg.gather [hbm4b:s7+s2], $0x80, v4, vm0, $0xb8;
	[tilespmem:$0x18180] =	vst v63  }
0x39: {  	s29 =	simm.s32 $0x4180  }
0x3a: {  	[tilespmem:s29], [sflag:$0x1] =	stream.indirect_vreg.gather [hbm4b:s8+s2], $0x80, v4, vm0, $0xb8;
	[tilespmem:$0x18180] =	vst v63  }
0x3b: {  	s30 =	simm.s32 $0x4980  }
0x3c: {  	[tilespmem:s30], [sflag:$0x1] =	stream.indirect_vreg.gather [hbm4b:s3+s2], $0x80, v3, vm0, $0xb8;
	[tilespmem:$0x18180] =	vst v63  }
0x3d: {  	s31 =	simm.s32 $0x5180  }
0x3e: {  	[tilespmem:s31], [sflag:$0x1] =	stream.indirect_vreg.gather [hbm4b:s7+s2], $0x80, v3, vm0, $0xb8;
	[tilespmem:$0x18180] =	vst v63  }
0x3f: {  	s1 =	simm.s32 $0x5980  }
0x40: {  	[tilespmem:s1], [sflag:$0x1] =	stream.indirect_vreg.gather [hbm4b:s8+s2], $0x80, v3, vm0, $0xb8;
	[tilespmem:$0x18180] =	vst v63  }
0x41: {  	v3 =	vld [tilespmem:$0x20];
	_ =	sdelay $0x4  }
0x42: {  	v58 =	vshrl.u32 v3, $0x3  }
0x43: {  	v4 =	vmul.u32 $0x30, v58  }
0x44: {  	v3 =	vand.u32 $0x7, v3  }
0x45: {  	v3 =	vor.u32 v3, v4  }
0x46: {  	v4 =	vperm.xlane v3, v0;
	_ =	sdelay $0x1  }
0x47: {  	v4 =	vadd.s32 v1, v4;
	_ =	sdelay $0x3  }
0x48: {  	s25 =	simm.s32 $0x6180;
	v3 =	vperm.xlane v3, v2  }
0x49: {  	[tilespmem:s25], [sflag:$0x1] =	stream.indirect_vreg.gather [hbm4b:s3+s2], $0x80, v4, vm0, $0xb8;
	[tilespmem:$0x18180] =	vst v63  }
0x4a: {  	s26 =	simm.s32 $0x6980;
	v3 =	vadd.s32 v1, v3  }
0x4b: {  	[tilespmem:s26], [sflag:$0x1] =	stream.indirect_vreg.gather [hbm4b:s7+s2], $0x80, v4, vm0, $0xb8;
	[tilespmem:$0x18180] =	vst v63  }
0x4c: {  	s28 =	simm.s32 $0x7180  }
0x4d: {  	[tilespmem:s28], [sflag:$0x1] =	stream.indirect_vreg.gather [hbm4b:s8+s2], $0x80, v4, vm0, $0xb8;
	[tilespmem:$0x18180] =	vst v63  }
0x4e: {  	s29 =	simm.s32 $0x7980  }
0x4f: {  	[tilespmem:s29], [sflag:$0x1] =	stream.indirect_vreg.gather [hbm4b:s3+s2], $0x80, v3, vm0, $0xb8;
	[tilespmem:$0x18180] =	vst v63  }
0x50: {  	s30 =	simm.s32 $0x8180  }
0x51: {  	[tilespmem:s30], [sflag:$0x1] =	stream.indirect_vreg.gather [hbm4b:s7+s2], $0x80, v3, vm0, $0xb8;
	[tilespmem:$0x18180] =	vst v63  }
0x52: {  	s31 =	simm.s32 $0x8980  }
0x53: {  	[tilespmem:s31], [sflag:$0x1] =	stream.indirect_vreg.gather [hbm4b:s8+s2], $0x80, v3, vm0, $0xb8;
	[tilespmem:$0x18180] =	vst v63  }
0x54: {  	v3 =	vld [tilespmem:$0x30];
	_ =	sdelay $0x4  }
0x55: {  	v59 =	vshrl.u32 v3, $0x3  }
0x56: {  	v4 =	vmul.u32 $0x30, v59  }
0x57: {  	v3 =	vand.u32 $0x7, v3  }
0x58: {  	v3 =	vor.u32 v3, v4  }
0x59: {  	v4 =	vperm.xlane v3, v0;
	_ =	sdelay $0x1  }
0x5a: {  	v4 =	vadd.s32 v1, v4;
	_ =	sdelay $0x3  }
0x5b: {  	s1 =	simm.s32 $0x9180;
	v3 =	vperm.xlane v3, v2  }
0x5c: {  	[tilespmem:s1], [sflag:$0x1] =	stream.indirect_vreg.gather [hbm4b:s3+s2], $0x80, v4, vm0, $0xb8;
	[tilespmem:$0x18180] =	vst v63  }
0x5d: {  	s25 =	simm.s32 $0x9980;
	v3 =	vadd.s32 v1, v3  }
0x5e: {  	[tilespmem:s25], [sflag:$0x1] =	stream.indirect_vreg.gather [hbm4b:s7+s2], $0x80, v4, vm0, $0xb8;
	[tilespmem:$0x18180] =	vst v63  }
0x5f: {  	s26 =	simm.s32 $0xA180  }
0x60: {  	[tilespmem:s26], [sflag:$0x1] =	stream.indirect_vreg.gather [hbm4b:s8+s2], $0x80, v4, vm0, $0xb8;
	[tilespmem:$0x18180] =	vst v63  }
0x61: {  	s28 =	simm.s32 $0xA980  }
0x62: {  	[tilespmem:s28], [sflag:$0x1] =	stream.indirect_vreg.gather [hbm4b:s3+s2], $0x80, v3, vm0, $0xb8;
	[tilespmem:$0x18180] =	vst v63  }
0x63: {  	s29 =	simm.s32 $0xB180  }
0x64: {  	[tilespmem:s29], [sflag:$0x1] =	stream.indirect_vreg.gather [hbm4b:s7+s2], $0x80, v3, vm0, $0xb8;
	[tilespmem:$0x18180] =	vst v63  }
0x65: {  	s30 =	simm.s32 $0xB980  }
0x66: {  	[tilespmem:s30], [sflag:$0x1] =	stream.indirect_vreg.gather [hbm4b:s8+s2], $0x80, v3, vm0, $0xb8;
	[tilespmem:$0x18180] =	vst v63  }
0x67: {  	v3 =	vld [tilespmem:$0x80];
	_ =	sdelay $0x4  }
0x68: {  	v60 =	vshrl.u32 v3, $0x3  }
0x69: {  	v4 =	vmul.u32 $0x30, v60  }
0x6a: {  	v3 =	vand.u32 $0x7, v3  }
0x6b: {  	v3 =	vor.u32 v3, v4  }
0x6c: {  	v4 =	vperm.xlane v3, v0;
	_ =	sdelay $0x1  }
0x6d: {  	v4 =	vadd.s32 v1, v4;
	_ =	sdelay $0x3  }
0x6e: {  	s31 =	simm.s32 $0xC180;
	v3 =	vperm.xlane v3, v2  }
0x6f: {  	[tilespmem:s31], [sflag:$0x2] =	stream.indirect_vreg.gather [hbm4b:s3+s2], $0x80, v4, vm0, $0xb8;
	[tilespmem:$0x18180] =	vst v63  }
0x70: {  	s1 =	simm.s32 $0xC980;
	v3 =	vadd.s32 v1, v3  }
0x71: {  	[tilespmem:s1], [sflag:$0x2] =	stream.indirect_vreg.gather [hbm4b:s7+s2], $0x80, v4, vm0, $0xb8;
	[tilespmem:$0x18180] =	vst v63  }
0x72: {  	s25 =	simm.s32 $0xD180  }
0x73: {  	[tilespmem:s25], [sflag:$0x2] =	stream.indirect_vreg.gather [hbm4b:s8+s2], $0x80, v4, vm0, $0xb8;
	[tilespmem:$0x18180] =	vst v63  }
0x74: {  	s26 =	simm.s32 $0xD980  }
0x75: {  	[tilespmem:s26], [sflag:$0x2] =	stream.indirect_vreg.gather [hbm4b:s3+s2], $0x80, v3, vm0, $0xb8;
	[tilespmem:$0x18180] =	vst v63  }
0x76: {  	s28 =	simm.s32 $0xE180  }
0x77: {  	[tilespmem:s28], [sflag:$0x2] =	stream.indirect_vreg.gather [hbm4b:s7+s2], $0x80, v3, vm0, $0xb8;
	[tilespmem:$0x18180] =	vst v63  }
0x78: {  	s29 =	simm.s32 $0xE980  }
0x79: {  	[tilespmem:s29], [sflag:$0x2] =	stream.indirect_vreg.gather [hbm4b:s8+s2], $0x80, v3, vm0, $0xb8;
	[tilespmem:$0x18180] =	vst v63  }
0x7a: {  	v3 =	vld [tilespmem:$0x90];
	_ =	sdelay $0x4  }
0x7b: {  	v61 =	vshrl.u32 v3, $0x3  }
0x7c: {  	v4 =	vmul.u32 $0x30, v61  }
0x7d: {  	v3 =	vand.u32 $0x7, v3  }
0x7e: {  	v3 =	vor.u32 v3, v4  }
0x7f: {  	v4 =	vperm.xlane v3, v0;
	_ =	sdelay $0x1  }
0x80: {  	v4 =	vadd.s32 v1, v4;
	_ =	sdelay $0x3  }
0x81: {  	s30 =	simm.s32 $0xF180;
	v3 =	vperm.xlane v3, v2  }
0x82: {  	[tilespmem:s30], [sflag:$0x2] =	stream.indirect_vreg.gather [hbm4b:s3+s2], $0x80, v4, vm0, $0xb8;
	[tilespmem:$0x18180] =	vst v63  }
0x83: {  	s31 =	simm.s32 $0xF980;
	v3 =	vadd.s32 v1, v3  }
0x84: {  	[tilespmem:s31], [sflag:$0x2] =	stream.indirect_vreg.gather [hbm4b:s7+s2], $0x80, v4, vm0, $0xb8;
	[tilespmem:$0x18180] =	vst v63  }
0x85: {  	s1 =	simm.s32 $0x10180  }
0x86: {  	[tilespmem:s1], [sflag:$0x2] =	stream.indirect_vreg.gather [hbm4b:s8+s2], $0x80, v4, vm0, $0xb8;
	[tilespmem:$0x18180] =	vst v63  }
0x87: {  	s25 =	simm.s32 $0x10980  }
0x88: {  	[tilespmem:s25], [sflag:$0x2] =	stream.indirect_vreg.gather [hbm4b:s3+s2], $0x80, v3, vm0, $0xb8;
	[tilespmem:$0x18180] =	vst v63  }
0x89: {  	s26 =	simm.s32 $0x11180  }
0x8a: {  	[tilespmem:s26], [sflag:$0x2] =	stream.indirect_vreg.gather [hbm4b:s7+s2], $0x80, v3, vm0, $0xb8;
	[tilespmem:$0x18180] =	vst v63  }
0x8b: {  	s28 =	simm.s32 $0x11980  }
0x8c: {  	[tilespmem:s28], [sflag:$0x2] =	stream.indirect_vreg.gather [hbm4b:s8+s2], $0x80, v3, vm0, $0xb8;
	[tilespmem:$0x18180] =	vst v63  }
0x8d: {  	v3 =	vld [tilespmem:$0xA0];
	_ =	sdelay $0x4  }
0x8e: {  	v62 =	vshrl.u32 v3, $0x3  }
0x8f: {  	v4 =	vmul.u32 $0x30, v62  }
0x90: {  	v3 =	vand.u32 $0x7, v3  }
0x91: {  	v3 =	vor.u32 v3, v4  }
0x92: {  	v4 =	vperm.xlane v3, v0;
	_ =	sdelay $0x1  }
0x93: {  	v4 =	vadd.s32 v1, v4;
	_ =	sdelay $0x3  }
0x94: {  	s29 =	simm.s32 $0x12180;
	v3 =	vperm.xlane v3, v2  }
0x95: {  	[tilespmem:s29], [sflag:$0x2] =	stream.indirect_vreg.gather [hbm4b:s3+s2], $0x80, v4, vm0, $0xb8;
	[tilespmem:$0x18180] =	vst v63  }
0x96: {  	s30 =	simm.s32 $0x12980;
	v3 =	vadd.s32 v1, v3  }
0x97: {  	[tilespmem:s30], [sflag:$0x2] =	stream.indirect_vreg.gather [hbm4b:s7+s2], $0x80, v4, vm0, $0xb8;
	[tilespmem:$0x18180] =	vst v63  }
0x98: {  	s31 =	simm.s32 $0x13180  }
0x99: {  	[tilespmem:s31], [sflag:$0x2] =	stream.indirect_vreg.gather [hbm4b:s8+s2], $0x80, v4, vm0, $0xb8;
	[tilespmem:$0x18180] =	vst v63  }
0x9a: {  	_ = 	snop  }
0x9b: {  	[tilespmem:s12], [sflag:$0x2] =	stream.indirect_vreg.gather [hbm4b:s3+s2], $0x80, v3, vm0, $0xb8;
	[tilespmem:$0x18180] =	vst v63  }
0x9c: {  	_ = 	snop  }
0x9d: {  	[tilespmem:s13], [sflag:$0x2] =	stream.indirect_vreg.gather [hbm4b:s7+s2], $0x80, v3, vm0, $0xb8;
	[tilespmem:$0x18180] =	vst v63  }
0x9e: {  	_ = 	snop  }
0x9f: {  	[tilespmem:s15], [sflag:$0x2] =	stream.indirect_vreg.gather [hbm4b:s8+s2], $0x80, v3, vm0, $0xb8;
	[tilespmem:$0x18180] =	vst v63  }
0xa0: {  	v3 =	vld [tilespmem:$0xB0];
	_ =	sdelay $0x4  }
0xa1: {  	v63 =	vshrl.u32 v3, $0x3  }
0xa2: {  	v4 =	vmul.u32 $0x30, v63  }
0xa3: {  	v3 =	vand.u32 $0x7, v3  }
0xa4: {  	v3 =	vor.u32 v3, v4  }
0xa5: {  	v4 =	vperm.xlane v3, v0;
	_ =	sdelay $0x1  }
0xa6: {  	v4 =	vadd.s32 v1, v4;
	_ =	sdelay $0x3  }
0xa7: {  	v3 =	vperm.xlane v3, v2  }
0xa8: {  	[tilespmem:s16], [sflag:$0x2] =	stream.indirect_vreg.gather [hbm4b:s3+s2], $0x80, v4, vm0, $0xb8;
	[tilespmem:$0x18180] =	vst v63  }
0xa9: {  	v3 =	vadd.s32 v1, v3  }
0xaa: {  	[tilespmem:s17], [sflag:$0x2] =	stream.indirect_vreg.gather [hbm4b:s7+s2], $0x80, v4, vm0, $0xb8;
	[tilespmem:$0x18180] =	vst v63  }
0xab: {  	_ = 	snop  }
0xac: {  	[tilespmem:s18], [sflag:$0x2] =	stream.indirect_vreg.gather [hbm4b:s8+s2], $0x80, v4, vm0, $0xb8;
	[tilespmem:$0x18180] =	vst v63  }
0xad: {  	_ = 	snop  }
0xae: {  	[tilespmem:s19], [sflag:$0x2] =	stream.indirect_vreg.gather [hbm4b:s3+s2], $0x80, v3, vm0, $0xb8;
	[tilespmem:$0x18180] =	vst v63  }
0xaf: {  	_ = 	snop  }
0xb0: {  	[tilespmem:s20], [sflag:$0x2] =	stream.indirect_vreg.gather [hbm4b:s7+s2], $0x80, v3, vm0, $0xb8;
	[tilespmem:$0x18180] =	vst v63  }
0xb1: {  	_ = 	snop  }
0xb2: {  	[tilespmem:s21], [sflag:$0x2] =	stream.indirect_vreg.gather [hbm4b:s8+s2], $0x80, v3, vm0, $0xb8;
	[tilespmem:$0x18180] =	vst v63  }
0xb3: {  	_ =	swait.ge [sflag:s22], $0xC000  }
0xb4: {  	[sflag:s22] =	ssyncset.done $0x0  }
0xb5: {  	[sflag:s22] =	ssyncadd.s32 $0xFFFF4000  }
0xb6: {  	_ =	swait.ge [sflag:s23], $0xC000  }
0xb7: {  	[sflag:s23] =	ssyncset.done $0x0  }
0xb8: {  	s25 =	simm.s32 $0x0;
	s26 =	simm.s32 $0x0;
	[sflag:s23] =	ssyncadd.s32 $0xFFFF4000  }
.LBB2_2:
0xb9: {  	s0 =	sshll.u32 s26, $0x4  }
0xba: {  	s0 =	sand.u32 $0x3FFFFFF0, s0  }
0xbb: {  	s28 =	smul.u32 $0x1800, s26;
	v3 =	vld [tilespmem:s0+$0x100];
	s0 =	simm.s32 $0x0  }
0xbc: {  	s1 =	sand.u32 $0x1C00, s0  }
0xbd: {  	s0 =	sand.u32 $0x70, s0;
	s1 =	sadd.s32 s28, s1  }
0xbe: {  	s29 =	sor.u32 s0, s1  }
0xbf: {  	v6 =	vld [tilespmem:s29+$0xC180]  }
0xc0: {  	v7 =	vld [tilespmem:s29+$0x180];
	_ =	sdelay $0x2  }
0xc1: {  	v4 =	vbroadcast v3, $0x0;
	v5 =	vbroadcast v3, $0x1;
	_ =	sdelay $0x1  }
0xc2: {  	s30 =	simm.s32 $0x80;
	v7 =	vmul.f32 v7, v4;
	v6 =	vmul.f32 v6, v5  }
0xc3: {  	s0 =	simm.s32 $0x10;
	s1 =	sand.u32 $0x1C00, s30  }
0xc4: {  	s31 =	simm.s32 $0x20;
	s0 =	sand.u32 $0x70, s0;
	s1 =	sadd.s32 s28, s1;
	v6 =	vadd.f32 v6, v7  }
.LBB2_3:
0xc5: {  	p0 =	seq.s32 s31, $0x2F0;
	s0 =	sor.u32 s0, s1  }
0xc6: {  	v7 =	vld [tilespmem:s0+$0xC180];
	[tilespmem:s29+$0x180] =	vst v6;
	s29 =	smov.u32 s0  }
0xc7: {  	v6 =	vld [tilespmem:s29+$0x180];
	_ =	sdelay $0x2  }
.Ltmp0:
0xc8: {  	(pc) =	sbr.rel @!p0 .LBB2_3-.Ltmp0, $4  }
0xc9: {  	_ = 	snop  }
0xca: {  	s30 =	sadd.s32 $0x80, s30;
	v7 =	vmul.f32 v7, v5;
	v6 =	vmul.f32 v6, v4  }
0xcb: {  	s1 =	sand.u32 $0x1C00, s30  }
0xcc: {  	s0 =	sand.u32 $0x70, s31;
	s31 =	sadd.s32 $0x10, s31;
	s1 =	sadd.s32 s28, s1;
	v6 =	vadd.f32 v7, v6  }
0xcd: {  	s0 =	sor.u32 s0, s1  }
0xce: {  	v7 =	vld [tilespmem:s0+$0xC180];
	[tilespmem:s29+$0x180] =	vst v6  }
0xcf: {  	v6 =	vld [tilespmem:s0+$0x180];
	_ =	sdelay $0x4  }
0xd0: {  	v5 =	vmul.f32 v7, v5;
	v4 =	vmul.f32 v6, v4;
	_ =	sdelay $0x1  }
0xd1: {  	v4 =	vadd.f32 v5, v4;
	_ =	sdelay $0x1  }
0xd2: {  	[tilespmem:s0+$0x180] =	vst v4;
	s0 =	simm.s32 $0x0  }
0xd3: {  	s1 =	sand.u32 $0x1C00, s0  }
0xd4: {  	s0 =	sand.u32 $0x70, s0;
	s1 =	sadd.s32 s28, s1  }
0xd5: {  	s29 =	sor.u32 s0, s1  }
0xd6: {  	v6 =	vld [tilespmem:s29+$0xC200]  }
0xd7: {  	v7 =	vld [tilespmem:s29+$0x200];
	_ =	sdelay $0x2  }
0xd8: {  	v5 =	vbroadcast v3, $0x3;
	v4 =	vbroadcast v3, $0x2;
	_ =	sdelay $0x1  }
0xd9: {  	s30 =	simm.s32 $0x80;
	v7 =	vmul.f32 v7, v4;
	v6 =	vmul.f32 v6, v5  }
0xda: {  	s0 =	simm.s32 $0x10;
	s1 =	sand.u32 $0x1C00, s30  }
0xdb: {  	s31 =	simm.s32 $0x20;
	s0 =	sand.u32 $0x70, s0;
	s1 =	sadd.s32 s28, s1;
	v6 =	vadd.f32 v6, v7  }
.LBB2_5:
0xdc: {  	p0 =	seq.s32 s31, $0x2F0;
	s0 =	sor.u32 s0, s1  }
0xdd: {  	v7 =	vld [tilespmem:s0+$0xC200];
	[tilespmem:s29+$0x200] =	vst v6;
	s29 =	smov.u32 s0  }
0xde: {  	v6 =	vld [tilespmem:s29+$0x200];
	_ =	sdelay $0x2  }
.Ltmp1:
0xdf: {  	(pc) =	sbr.rel @!p0 .LBB2_5-.Ltmp1, $4  }
0xe0: {  	_ = 	snop  }
0xe1: {  	s30 =	sadd.s32 $0x80, s30;
	v7 =	vmul.f32 v7, v5;
	v6 =	vmul.f32 v6, v4  }
0xe2: {  	s1 =	sand.u32 $0x1C00, s30  }
0xe3: {  	s0 =	sand.u32 $0x70, s31;
	s31 =	sadd.s32 $0x10, s31;
	s1 =	sadd.s32 s28, s1;
	v6 =	vadd.f32 v7, v6  }
0xe4: {  	s0 =	sor.u32 s0, s1  }
0xe5: {  	v7 =	vld [tilespmem:s0+$0xC200];
	[tilespmem:s29+$0x200] =	vst v6  }
0xe6: {  	v6 =	vld [tilespmem:s0+$0x200];
	_ =	sdelay $0x4  }
0xe7: {  	v5 =	vmul.f32 v7, v5;
	v4 =	vmul.f32 v6, v4;
	_ =	sdelay $0x1  }
0xe8: {  	v4 =	vadd.f32 v5, v4;
	_ =	sdelay $0x1  }
0xe9: {  	[tilespmem:s0+$0x200] =	vst v4;
	s0 =	simm.s32 $0x0  }
0xea: {  	s1 =	sand.u32 $0x1C00, s0  }
0xeb: {  	s0 =	sand.u32 $0x70, s0;
	s1 =	sadd.s32 s28, s1  }
0xec: {  	s29 =	sor.u32 s0, s1  }
0xed: {  	v6 =	vld [tilespmem:s29+$0xC280]  }
0xee: {  	v7 =	vld [tilespmem:s29+$0x280];
	_ =	sdelay $0x2  }
0xef: {  	v5 =	vbroadcast v3, $0x5;
	v4 =	vbroadcast v3, $0x4;
	_ =	sdelay $0x1  }
0xf0: {  	s30 =	simm.s32 $0x80;
	v7 =	vmul.f32 v7, v4;
	v6 =	vmul.f32 v6, v5  }
0xf1: {  	s0 =	simm.s32 $0x10;
	s1 =	sand.u32 $0x1C00, s30  }
0xf2: {  	s31 =	simm.s32 $0x20;
	s0 =	sand.u32 $0x70, s0;
	s1 =	sadd.s32 s28, s1;
	v6 =	vadd.f32 v6, v7  }
.LBB2_7:
0xf3: {  	p0 =	seq.s32 s31, $0x2F0;
	s0 =	sor.u32 s0, s1  }
0xf4: {  	v7 =	vld [tilespmem:s0+$0xC280];
	[tilespmem:s29+$0x280] =	vst v6;
	s29 =	smov.u32 s0  }
0xf5: {  	v6 =	vld [tilespmem:s29+$0x280];
	_ =	sdelay $0x2  }
.Ltmp2:
0xf6: {  	(pc) =	sbr.rel @!p0 .LBB2_7-.Ltmp2, $4  }
0xf7: {  	_ = 	snop  }
0xf8: {  	s30 =	sadd.s32 $0x80, s30;
	v7 =	vmul.f32 v7, v5;
	v6 =	vmul.f32 v6, v4  }
0xf9: {  	s1 =	sand.u32 $0x1C00, s30  }
0xfa: {  	s0 =	sand.u32 $0x70, s31;
	s31 =	sadd.s32 $0x10, s31;
	s1 =	sadd.s32 s28, s1;
	v6 =	vadd.f32 v7, v6  }
0xfb: {  	s0 =	sor.u32 s0, s1  }
0xfc: {  	v7 =	vld [tilespmem:s0+$0xC280];
	[tilespmem:s29+$0x280] =	vst v6  }
0xfd: {  	v6 =	vld [tilespmem:s0+$0x280];
	_ =	sdelay $0x4  }
0xfe: {  	v5 =	vmul.f32 v7, v5;
	v4 =	vmul.f32 v6, v4;
	_ =	sdelay $0x1  }
0xff: {  	v4 =	vadd.f32 v5, v4;
	_ =	sdelay $0x1  }
0x100: {  	[tilespmem:s0+$0x280] =	vst v4;
	s0 =	simm.s32 $0x0  }
0x101: {  	s1 =	sand.u32 $0x1C00, s0  }
0x102: {  	s0 =	sand.u32 $0x70, s0;
	s1 =	sadd.s32 s28, s1  }
0x103: {  	s29 =	sor.u32 s0, s1  }
0x104: {  	v6 =	vld [tilespmem:s29+$0xC300]  }
0x105: {  	v7 =	vld [tilespmem:s29+$0x300];
	_ =	sdelay $0x2  }
0x106: {  	v5 =	vbroadcast v3, $0x7;
	v4 =	vbroadcast v3, $0x6;
	_ =	sdelay $0x1  }
0x107: {  	s30 =	simm.s32 $0x80;
	v7 =	vmul.f32 v7, v4;
	v6 =	vmul.f32 v6, v5  }
0x108: {  	s0 =	simm.s32 $0x10;
	s1 =	sand.u32 $0x1C00, s30  }
0x109: {  	s31 =	simm.s32 $0x20;
	s0 =	sand.u32 $0x70, s0;
	s1 =	sadd.s32 s28, s1;
	v6 =	vadd.f32 v6, v7  }
.LBB2_9:
0x10a: {  	p0 =	seq.s32 s31, $0x2F0;
	s0 =	sor.u32 s0, s1  }
0x10b: {  	v7 =	vld [tilespmem:s0+$0xC300];
	[tilespmem:s29+$0x300] =	vst v6;
	s29 =	smov.u32 s0  }
0x10c: {  	v6 =	vld [tilespmem:s29+$0x300];
	_ =	sdelay $0x2  }
.Ltmp3:
0x10d: {  	(pc) =	sbr.rel @!p0 .LBB2_9-.Ltmp3, $4  }
0x10e: {  	_ = 	snop  }
0x10f: {  	s30 =	sadd.s32 $0x80, s30;
	v7 =	vmul.f32 v7, v5;
	v6 =	vmul.f32 v6, v4  }
0x110: {  	s1 =	sand.u32 $0x1C00, s30  }
0x111: {  	s0 =	sand.u32 $0x70, s31;
	s31 =	sadd.s32 $0x10, s31;
	s1 =	sadd.s32 s28, s1;
	v6 =	vadd.f32 v7, v6  }
0x112: {  	s0 =	sor.u32 s0, s1  }
0x113: {  	v7 =	vld [tilespmem:s0+$0xC300];
	[tilespmem:s29+$0x300] =	vst v6  }
0x114: {  	v6 =	vld [tilespmem:s0+$0x300];
	_ =	sdelay $0x4  }
0x115: {  	v5 =	vmul.f32 v7, v5;
	v4 =	vmul.f32 v6, v4;
	_ =	sdelay $0x1  }
0x116: {  	v4 =	vadd.f32 v5, v4;
	_ =	sdelay $0x1  }
0x117: {  	[tilespmem:s0+$0x300] =	vst v4;
	s0 =	simm.s32 $0x0  }
0x118: {  	s1 =	sand.u32 $0x1C00, s0  }
0x119: {  	s0 =	sand.u32 $0x70, s0;
	s1 =	sadd.s32 s28, s1  }
0x11a: {  	s29 =	sor.u32 s0, s1  }
0x11b: {  	v6 =	vld [tilespmem:s29+$0xC380]  }
0x11c: {  	v7 =	vld [tilespmem:s29+$0x380];
	_ =	sdelay $0x2  }
0x11d: {  	v5 =	vbroadcast v3, $0x9;
	v4 =	vbroadcast v3, $0x8;
	_ =	sdelay $0x1  }
0x11e: {  	s30 =	simm.s32 $0x80;
	v7 =	vmul.f32 v7, v4;
	v6 =	vmul.f32 v6, v5  }
0x11f: {  	s0 =	simm.s32 $0x10;
	s1 =	sand.u32 $0x1C00, s30  }
0x120: {  	s31 =	simm.s32 $0x20;
	s0 =	sand.u32 $0x70, s0;
	s1 =	sadd.s32 s28, s1;
	v6 =	vadd.f32 v6, v7  }
.LBB2_11:
0x121: {  	p0 =	seq.s32 s31, $0x2F0;
	s0 =	sor.u32 s0, s1  }
0x122: {  	v7 =	vld [tilespmem:s0+$0xC380];
	[tilespmem:s29+$0x380] =	vst v6;
	s29 =	smov.u32 s0  }
0x123: {  	v6 =	vld [tilespmem:s29+$0x380];
	_ =	sdelay $0x2  }
.Ltmp4:
0x124: {  	(pc) =	sbr.rel @!p0 .LBB2_11-.Ltmp4, $4  }
0x125: {  	_ = 	snop  }
0x126: {  	s30 =	sadd.s32 $0x80, s30;
	v7 =	vmul.f32 v7, v5;
	v6 =	vmul.f32 v6, v4  }
0x127: {  	s1 =	sand.u32 $0x1C00, s30  }
0x128: {  	s0 =	sand.u32 $0x70, s31;
	s31 =	sadd.s32 $0x10, s31;
	s1 =	sadd.s32 s28, s1;
	v6 =	vadd.f32 v7, v6  }
0x129: {  	s0 =	sor.u32 s0, s1  }
0x12a: {  	v7 =	vld [tilespmem:s0+$0xC380];
	[tilespmem:s29+$0x380] =	vst v6  }
0x12b: {  	v6 =	vld [tilespmem:s0+$0x380];
	_ =	sdelay $0x4  }
0x12c: {  	v5 =	vmul.f32 v7, v5;
	v4 =	vmul.f32 v6, v4;
	_ =	sdelay $0x1  }
0x12d: {  	v4 =	vadd.f32 v5, v4;
	_ =	sdelay $0x1  }
0x12e: {  	[tilespmem:s0+$0x380] =	vst v4;
	s0 =	simm.s32 $0x0  }
0x12f: {  	s1 =	sand.u32 $0x1C00, s0  }
0x130: {  	s0 =	sand.u32 $0x70, s0;
	s1 =	sadd.s32 s28, s1  }
0x131: {  	s29 =	sor.u32 s0, s1  }
0x132: {  	v6 =	vld [tilespmem:s29+$0xC400]  }
0x133: {  	v7 =	vld [tilespmem:s29+$0x400];
	_ =	sdelay $0x2  }
0x134: {  	v5 =	vbroadcast v3, $0xB;
	v4 =	vbroadcast v3, $0xA;
	_ =	sdelay $0x1  }
0x135: {  	s30 =	simm.s32 $0x80;
	v7 =	vmul.f32 v7, v4;
	v6 =	vmul.f32 v6, v5  }
0x136: {  	s0 =	simm.s32 $0x10;
	s1 =	sand.u32 $0x1C00, s30  }
0x137: {  	s31 =	simm.s32 $0x20;
	s0 =	sand.u32 $0x70, s0;
	s1 =	sadd.s32 s28, s1;
	v6 =	vadd.f32 v6, v7  }
.LBB2_13:
0x138: {  	p0 =	seq.s32 s31, $0x2F0;
	s0 =	sor.u32 s0, s1  }
0x139: {  	v7 =	vld [tilespmem:s0+$0xC400];
	[tilespmem:s29+$0x400] =	vst v6;
	s29 =	smov.u32 s0  }
0x13a: {  	v6 =	vld [tilespmem:s29+$0x400];
	_ =	sdelay $0x2  }
.Ltmp5:
0x13b: {  	(pc) =	sbr.rel @!p0 .LBB2_13-.Ltmp5, $4  }
0x13c: {  	_ = 	snop  }
0x13d: {  	s30 =	sadd.s32 $0x80, s30;
	v7 =	vmul.f32 v7, v5;
	v6 =	vmul.f32 v6, v4  }
0x13e: {  	s1 =	sand.u32 $0x1C00, s30  }
0x13f: {  	s0 =	sand.u32 $0x70, s31;
	s31 =	sadd.s32 $0x10, s31;
	s1 =	sadd.s32 s28, s1;
	v6 =	vadd.f32 v7, v6  }
0x140: {  	s0 =	sor.u32 s0, s1  }
0x141: {  	v7 =	vld [tilespmem:s0+$0xC400];
	[tilespmem:s29+$0x400] =	vst v6  }
0x142: {  	v6 =	vld [tilespmem:s0+$0x400];
	_ =	sdelay $0x4  }
0x143: {  	v5 =	vmul.f32 v7, v5;
	v4 =	vmul.f32 v6, v4;
	_ =	sdelay $0x1  }
0x144: {  	v4 =	vadd.f32 v5, v4;
	_ =	sdelay $0x1  }
0x145: {  	[tilespmem:s0+$0x400] =	vst v4;
	s0 =	simm.s32 $0x0  }
0x146: {  	s1 =	sand.u32 $0x1C00, s0  }
0x147: {  	s0 =	sand.u32 $0x70, s0;
	s1 =	sadd.s32 s28, s1  }
0x148: {  	s29 =	sor.u32 s0, s1  }
0x149: {  	v6 =	vld [tilespmem:s29+$0xC480]  }
0x14a: {  	v7 =	vld [tilespmem:s29+$0x480];
	_ =	sdelay $0x2  }
0x14b: {  	v5 =	vbroadcast v3, $0xD;
	v4 =	vbroadcast v3, $0xC;
	_ =	sdelay $0x1  }
0x14c: {  	s30 =	simm.s32 $0x80;
	v7 =	vmul.f32 v7, v4;
	v6 =	vmul.f32 v6, v5  }
0x14d: {  	s0 =	simm.s32 $0x10;
	s1 =	sand.u32 $0x1C00, s30  }
0x14e: {  	s31 =	simm.s32 $0x20;
	s0 =	sand.u32 $0x70, s0;
	s1 =	sadd.s32 s28, s1;
	v6 =	vadd.f32 v6, v7  }
.LBB2_15:
0x14f: {  	p0 =	seq.s32 s31, $0x2F0;
	s0 =	sor.u32 s0, s1  }
0x150: {  	v7 =	vld [tilespmem:s0+$0xC480];
	[tilespmem:s29+$0x480] =	vst v6;
	s29 =	smov.u32 s0  }
0x151: {  	v6 =	vld [tilespmem:s29+$0x480];
	_ =	sdelay $0x2  }
.Ltmp6:
0x152: {  	(pc) =	sbr.rel @!p0 .LBB2_15-.Ltmp6, $4  }
0x153: {  	_ = 	snop  }
0x154: {  	s30 =	sadd.s32 $0x80, s30;
	v7 =	vmul.f32 v7, v5;
	v6 =	vmul.f32 v6, v4  }
0x155: {  	s1 =	sand.u32 $0x1C00, s30  }
0x156: {  	s0 =	sand.u32 $0x70, s31;
	s31 =	sadd.s32 $0x10, s31;
	s1 =	sadd.s32 s28, s1;
	v6 =	vadd.f32 v7, v6  }
0x157: {  	s0 =	sor.u32 s0, s1  }
0x158: {  	v7 =	vld [tilespmem:s0+$0xC480];
	[tilespmem:s29+$0x480] =	vst v6  }
0x159: {  	v6 =	vld [tilespmem:s0+$0x480];
	_ =	sdelay $0x4  }
0x15a: {  	v5 =	vmul.f32 v7, v5;
	v4 =	vmul.f32 v6, v4;
	_ =	sdelay $0x1  }
0x15b: {  	v4 =	vadd.f32 v5, v4  }
0x15c: {  	s1 =	simm.s32 $0x0  }
0x15d: {  	[tilespmem:s0+$0x480] =	vst v4;
	s0 =	sand.u32 $0xFFFFFC00, s1  }
0x15e: {  	s0 =	sadd.s32 s0, s25  }
0x15f: {  	s28 =	sor.u32 $0x380, s0  }
0x160: {  	v5 =	vld [tilespmem:s28+$0xC180]  }
0x161: {  	v6 =	vld [tilespmem:s28+$0x180];
	_ =	sdelay $0x2  }
0x162: {  	v4 =	vbroadcast v3, $0xE;
	v3 =	vbroadcast v3, $0xF;
	_ =	sdelay $0x1  }
0x163: {  	s31 =	simm.s32 $0x80;
	v6 =	vmul.f32 v6, v4;
	v5 =	vmul.f32 v5, v3  }
0x164: {  	s29 =	sadd.s32 $0x10, s25;
	s0 =	sand.u32 $0xFFFFFC00, s31  }
0x165: {  	s30 =	simm.s32 $0x100;
	s0 =	sadd.s32 s0, s29;
	v5 =	vadd.f32 v5, v6  }
.LBB2_17:
0x166: {  	p0 =	sne.s32 s30, $0x1780;
	s0 =	sor.u32 $0x380, s0  }
0x167: {  	v6 =	vld [tilespmem:s0+$0xC180];
	[tilespmem:s28+$0x180] =	vst v5;
	s28 =	smov.u32 s0  }
0x168: {  	v5 =	vld [tilespmem:s28+$0x180];
	_ =	sdelay $0x2  }
.Ltmp7:
0x169: {  	(pc) =	sbr.rel @p0 .LBB2_17-.Ltmp7, $4  }
0x16a: {  	_ = 	snop  }
0x16b: {  	v6 =	vmul.f32 v6, v3;
	v5 =	vmul.f32 v5, v4  }
0x16c: {  	s29 =	sadd.s32 $0x10, s29;
	s0 =	sand.u32 $0xFFFFFC00, s30  }
0x16d: {  	s30 =	sadd.s32 $0x80, s30;
	s0 =	sadd.s32 s0, s29;
	v5 =	vadd.f32 v6, v5  }
0x16e: {  	s0 =	sor.u32 $0x380, s0  }
0x16f: {  	v6 =	vld [tilespmem:s0+$0xC180];
	[tilespmem:s28+$0x180] =	vst v5  }
0x170: {  	v5 =	vld [tilespmem:s0+$0x180];
	_ =	sdelay $0x2  }
0x171: {  	s26 =	sadd.s32 $0x1, s26  }
0x172: {  	p0 =	sne.s32 s26, $0x8  }
.Ltmp8:
0x173: {  	v3 =	vmul.f32 v6, v3;
	v4 =	vmul.f32 v5, v4;
	(pc) =	sbr.rel @p0 .LBB2_2-.Ltmp8, $3  }
0x174: {  	_ = 	snop  }
0x175: {  	v3 =	vadd.f32 v3, v4;
	_ =	sdelay $0x1  }
0x176: {  	s25 =	sadd.s32 $0x1800, s25;
	[tilespmem:s0+$0x180] =	vst v3  }
0x177: {  	s24 =	sadd.s32 $0x1, s24  }
0x178: {  	p0 =	sne.s32 s24, s10  }
.Ltmp9:
0x179: {  	_ = 	snop;
	(pc) =	sbr.rel @p0 .LBB2_1-.Ltmp9, $4  }
0x17a: {  	[hbm4b:s9+s2] =	stream.linear.scatter [tilespmem:s14], [sflag:$0x3], $0xC000, $0x38;
	[tilespmem:$0x18180] =	vst v63  }
0x17b: {  	_ =	swait.ge [sflag:s11], $0xC000  }
0x17c: {  	[sflag:s11] =	ssyncset.done $0x0  }
0x17d: {  	[sflag:s11] =	ssyncadd.s32 $0xFFFF4000  }
0x17e: {  	_ =	sfence.sel $0x180000  }
0x17f: {  	[bflag:$0x0] =	sbarrier.arrive $0xFFFF  }
0x180: {  	_ =	strace $0x9000004D  }
0x181: {  	s0 =	stileid.u32;
	[bflag:$0x2] =	sbarrier.arrive $0xFFFF  }
0x182: {  	p0 =	sne.s32 s0, $0x0;
	s0 =	rddreg [dreg:$0x2]  }
0x183: {  	s0 =	sadd.s32 @!p0 $0x100000, s0  }
0x184: {  	[sflag:s0] =	ssyncadd.tile.s32 @!p0 $0x1;
	_ =	shalt  }
.Lfunc_end2:
_tile_overlayer_lowered:
.L_overlay_start_2:
0x185: {  	(tag) =	ssettag $0x2  }
0x186: {  	s0 =	rddreg [dreg:$0x0];
	s2 =	stileid.u32  }
0x187: {  	s1 =	rddreg [dreg:$0x1];
	p0 =	sne.s32 s2, $0x0  }
0x188: {  	s3 =	rddreg [dreg:$0x2];
	[bflag:$0x3] =	sbarrier.arrive $0xFFFF;
	s2 =	simm.s32 @!p0 $0x1C03  }
0x189: {  	[timem:s3], [sflag:s2] =	dma.local @!p0 [hbm:s0], s1  }
0x18a: {  	s0 =	simm.s32 @!p0 $0x3  }
0x18b: {  	_ =	swait.ge @!p0 [sflag:s0], s1  }
0x18c: {  	s1 =	ssub.s32 @!p0 $0x0, s1;
	[sflag:s0] =	ssyncset.done @!p0 $0x0  }
0x18d: {  	[sflag:s0] =	ssyncadd.s32 @!p0 s1  }
0x18e: {  	[bflag:$0x3] =	sbarrier.arrive $0xFFFF  }
0x18f: {  	_ =	shalt  }

</sc_bundles>
